<compile_context>
chip_gen: v7x
topology: tpu7x:2x2x1
jax: 0.10.2.dev20260603
libtpu: 0.0.44.dev20260713+nightly
codegen_flags: <defaults>
</compile_context>

<pallas_src>
import functools

import jax
import jax.numpy as jnp
from jax import lax
from jax.experimental import pallas as pl
from jax.experimental.pallas import tpu as pltpu
from jax.experimental.pallas import tpu_sc as plsc

N = 10000
NP = 10240
DX = 128
HJ = 2048
ALPHA = 0.05
C1 = ALPHA * (1.0 - ALPHA)
TOPK = 128

E = 320000
CHUNK = 128
NTILES = 32
NCHUNK = 79
EPT = NCHUNK * CHUNK
E3 = NTILES * EPT
STRIPE = NP // 16

_SC_MESH = plsc.VectorSubcoreMesh(core_axis_name="c", subcore_axis_name="s")


BI2 = 1000
BJ2 = 640


def _k2_body(x_ref, gx_ref, wa_ref, wb_ref, b1_ref, w2_ref, b2_ref,
             zz_ref, dinv_ref, h_s):
    j = pl.program_id(1)
    nj = pl.num_programs(1)

    @pl.when(j == 0)
    def _():
        h = jnp.dot(x_ref[...], wa_ref[...], preferred_element_type=jnp.float32)
        h = h + jnp.dot(gx_ref[...], wb_ref[...],
                        preferred_element_type=jnp.float32)
        h_s[...] = jnp.maximum(h + b1_ref[...], 0.0)

    zz = jnp.dot(h_s[...], w2_ref[...], preferred_element_type=jnp.float32)
    zz = jnp.maximum(zz + b2_ref[...], 0.0)
    zz_ref[...] = zz
    rs = jnp.sum(zz, axis=1, keepdims=True)

    @pl.when(j == 0)
    def _():
        dinv_ref[...] = rs + 1.0

    @pl.when(j > 0)
    def _():
        dinv_ref[...] = dinv_ref[...] + rs

    @pl.when(j == nj - 1)
    def _():
        dinv_ref[...] = lax.rsqrt(dinv_ref[...])


def _run_k2(x, gx, wa, wb, b1, w2p, b2p):
    return pl.pallas_call(
        _k2_body,
        grid=(N // BI2, NP // BJ2),
        in_specs=[
            pl.BlockSpec((BI2, DX), lambda i, j: (i, jnp.int32(0))),
            pl.BlockSpec((BI2, DX), lambda i, j: (i, jnp.int32(0))),
            pl.BlockSpec((DX, HJ), lambda i, j: (jnp.int32(0), jnp.int32(0))),
            pl.BlockSpec((DX, HJ), lambda i, j: (jnp.int32(0), jnp.int32(0))),
            pl.BlockSpec((1, HJ), lambda i, j: (jnp.int32(0), jnp.int32(0))),
            pl.BlockSpec((HJ, BJ2), lambda i, j: (jnp.int32(0), j)),
            pl.BlockSpec((1, BJ2), lambda i, j: (jnp.int32(0), j)),
        ],
        out_specs=[
            pl.BlockSpec((BI2, BJ2), lambda i, j: (i, j)),
            pl.BlockSpec((BI2, 1), lambda i, j: (i, jnp.int32(0))),
        ],
        out_shape=[
            jax.ShapeDtypeStruct((N, NP), jnp.float32),
            jax.ShapeDtypeStruct((N, 1), jnp.float32),
        ],
        scratch_shapes=[pltpu.VMEM((BI2, HJ), jnp.float32)],
    )(x, gx, wa, wb, b1, w2p, b2p)


BC3 = 128


def _k3_body(zz_ref, dc_ref, dr_ref, xp_ref, xn_ref, s_s):
    j = pl.program_id(0)

    dc = dc_ref[...]
    s = (C1 * dc) * zz_ref[...] * dr_ref[...]
    rows = lax.broadcasted_iota(jnp.int32, (N, BC3), 0)
    cols = (j * jnp.int32(BC3)) + lax.broadcasted_iota(jnp.int32, (N, BC3), 1)
    s = jnp.where(rows == cols, s + (C1 * dc * dc + ALPHA), s)
    s_s[...] = s

    lo0 = jnp.zeros((1, BC3), jnp.int32)
    hi0 = jnp.full((1, BC3), 0x7F7FFFFF, jnp.int32)

    def step(_, carry):
        lo, hi = carry
        span = hi - lo
        q = (span + 3) // 4
        m1 = lo + q
        m2 = jnp.minimum(m1 + q, hi)
        m3 = jnp.minimum(m2 + q, hi)
        t1 = lax.bitcast_convert_type(m1, jnp.float32)
        t2 = lax.bitcast_convert_type(m2, jnp.float32)
        t3 = lax.bitcast_convert_type(m3, jnp.float32)
        sv = s_s[...]
        c1 = jnp.sum((sv >= t1).astype(jnp.float32), axis=0, keepdims=True)
        c2 = jnp.sum((sv >= t2).astype(jnp.float32), axis=0, keepdims=True)
        c3 = jnp.sum((sv >= t3).astype(jnp.float32), axis=0, keepdims=True)
        p1 = c1 >= float(TOPK)
        p2 = c2 >= float(TOPK)
        p3 = c3 >= float(TOPK)
        lo = jnp.where(p3, m3, jnp.where(p2, m2, jnp.where(p1, m1, lo)))
        hi = jnp.where(p3, hi,
                       jnp.where(p2, m3 - 1, jnp.where(p1, m2 - 1, m1 - 1)))
        return lo, hi

    lo, _ = lax.fori_loop(jnp.int32(0), jnp.int32(16), step, (lo0, hi0))
    kth = lax.bitcast_convert_type(lo, jnp.float32)

    sm = jnp.where(s_s[...] >= kth, s_s[...], 0.0)
    col = jnp.sum(sm, axis=0, keepdims=True)
    sm = sm / jnp.where(col == 0.0, 1.0, col)
    contrib = jnp.dot(sm, xp_ref[...], preferred_element_type=jnp.float32)

    @pl.when(j == 0)
    def _():
        xn_ref[...] = contrib

    @pl.when(j > 0)
    def _():
        xn_ref[...] = xn_ref[...] + contrib


def _run_k3(zz, dinv, dinv_row, x_pad):
    return pl.pallas_call(
        _k3_body,
        grid=(NP // BC3,),
        in_specs=[
            pl.BlockSpec((N, BC3), lambda j: (jnp.int32(0), j)),
            pl.BlockSpec((N, 1), lambda j: (jnp.int32(0), jnp.int32(0))),
            pl.BlockSpec((1, BC3), lambda j: (jnp.int32(0), j)),
            pl.BlockSpec((BC3, DX), lambda j: (j, jnp.int32(0))),
        ],
        out_specs=pl.BlockSpec((N, DX), lambda j: (jnp.int32(0), jnp.int32(0))),
        out_shape=jax.ShapeDtypeStruct((N, DX), jnp.float32),
        scratch_shapes=[pltpu.VMEM((N, BC3), jnp.float32)],
    )(zz, dinv, dinv_row, x_pad)


def _sc_deg_body(dst_hbm, zeros_hbm, out_hbm, dstv, onesv, deg_sh):
    cid = lax.axis_index("c")
    sid = lax.axis_index("s")
    soff = sid * jnp.int32(STRIPE)

    @pl.when(cid == 0)
    def _():
        pltpu.sync_copy(zeros_hbm.at[pl.ds(soff, STRIPE)],
                        deg_sh.at[pl.ds(soff, STRIPE)])
        for jj in range(CHUNK // 16):
            onesv[pl.ds(jj * 16, 16)] = jnp.ones((16,), jnp.float32)
        plsc.subcore_barrier()

        for seg in range(2):
            def body(k, carry, seg=seg):
                base = ((sid + jnp.int32(16 * seg)) * jnp.int32(EPT)
                        + k * jnp.int32(CHUNK))
                pltpu.sync_copy(dst_hbm.at[pl.ds(base, CHUNK)], dstv)
                pltpu.sync_copy(onesv, deg_sh.at[dstv], add=True)
                return carry

            lax.fori_loop(jnp.int32(0), jnp.int32(NCHUNK), body, None)

        plsc.subcore_barrier()
        pltpu.sync_copy(deg_sh.at[pl.ds(soff, STRIPE)],
                        out_hbm.at[pl.ds(soff, STRIPE)])


def _run_sc_deg(dst_pad, zeros1d):
    f = functools.partial(
        pl.kernel,
        out_type=jax.ShapeDtypeStruct((NP,), jnp.float32),
        mesh=_SC_MESH,
        scratch_types=[
            pltpu.VMEM((CHUNK,), jnp.int32),
            pltpu.VMEM((CHUNK,), jnp.float32),
            pltpu.VMEM_SHARED((NP,), jnp.float32),
        ],
    )(_sc_deg_body)
    return f(dst_pad, zeros1d)


def _sc_agg_body(y_hbm, src_hbm, dst_hbm, zeros_hbm, out_hbm,
                 srcv, dstv, rows_v, acc_sh, sem):
    cid = lax.axis_index("c")
    sid = lax.axis_index("s")
    wid = cid * jnp.int32(16) + sid
    soff = sid * jnp.int32(STRIPE)

    pltpu.sync_copy(zeros_hbm.at[pl.ds(soff, STRIPE)],
                    acc_sh.at[pl.ds(soff, STRIPE)])
    plsc.subcore_barrier()

    def body(k, carry):
        base = wid * jnp.int32(EPT) + k * jnp.int32(CHUNK)
        pltpu.sync_copy(src_hbm.at[pl.ds(base, CHUNK)], srcv)
        pltpu.sync_copy(dst_hbm.at[pl.ds(base, CHUNK)], dstv)
        pltpu.async_copy(y_hbm.at[srcv], rows_v, sem).wait()
        pltpu.sync_copy(rows_v, acc_sh.at[dstv], add=True)
        return carry

    lax.fori_loop(jnp.int32(0), jnp.int32(NCHUNK), body, None)

    plsc.subcore_barrier()
    pltpu.sync_copy(acc_sh.at[pl.ds(soff, STRIPE)],
                    out_hbm.at[cid, pl.ds(soff, STRIPE)])


def _run_sc_agg(y, src_pad, dst_pad, zeros2d):
    f = functools.partial(
        pl.kernel,
        out_type=jax.ShapeDtypeStruct((2, NP, DX), jnp.float32),
        mesh=_SC_MESH,
        scratch_types=[
            pltpu.VMEM((CHUNK,), jnp.int32),
            pltpu.VMEM((CHUNK,), jnp.int32),
            pltpu.VMEM((CHUNK, DX), jnp.float32),
            pltpu.VMEM_SHARED((NP, DX), jnp.float32),
            pltpu.SemaphoreType.DMA,
        ],
    )(_sc_agg_body)
    return f(y, src_pad, dst_pad, zeros2d)


BR = 2000


def _k4_body(xn_ref, gx_ref, deg_ref, wea_ref, web_ref, be1_ref, wg1_ref,
             z_ref, dinv_ref, xw1_ref, y1_ref):
    z = jnp.dot(xn_ref[...], wea_ref[...], preferred_element_type=jnp.float32)
    z = z + jnp.dot(gx_ref[...], web_ref[...],
                    preferred_element_type=jnp.float32)
    z = jnp.maximum(z + be1_ref[...], 0.0)
    z_ref[...] = z

    deg = deg_ref[...] + 1.0
    dinv = lax.rsqrt(jnp.maximum(deg, 1.0))
    dinv_ref[...] = dinv

    xw1 = jnp.dot(z + gx_ref[...], wg1_ref[...],
                  preferred_element_type=jnp.float32)
    xw1_ref[...] = xw1
    y1_ref[...] = dinv * xw1


def _run_k4(xn, gx, deg2d, wea, web, be1, wg1):
    return pl.pallas_call(
        _k4_body,
        grid=(N // BR,),
        in_specs=[
            pl.BlockSpec((BR, DX), lambda r: (r, jnp.int32(0))),
            pl.BlockSpec((BR, DX), lambda r: (r, jnp.int32(0))),
            pl.BlockSpec((BR, 1), lambda r: (r, jnp.int32(0))),
            pl.BlockSpec((DX, DX), lambda r: (jnp.int32(0), jnp.int32(0))),
            pl.BlockSpec((DX, DX), lambda r: (jnp.int32(0), jnp.int32(0))),
            pl.BlockSpec((1, DX), lambda r: (jnp.int32(0), jnp.int32(0))),
            pl.BlockSpec((DX, DX), lambda r: (jnp.int32(0), jnp.int32(0))),
        ],
        out_specs=[
            pl.BlockSpec((BR, DX), lambda r: (r, jnp.int32(0))),
            pl.BlockSpec((BR, 1), lambda r: (r, jnp.int32(0))),
            pl.BlockSpec((BR, DX), lambda r: (r, jnp.int32(0))),
            pl.BlockSpec((BR, DX), lambda r: (r, jnp.int32(0))),
        ],
        out_shape=[
            jax.ShapeDtypeStruct((N, DX), jnp.float32),
            jax.ShapeDtypeStruct((N, 1), jnp.float32),
            jax.ShapeDtypeStruct((N, DX), jnp.float32),
            jax.ShapeDtypeStruct((N, DX), jnp.float32),
        ],
    )(xn, gx, deg2d, wea, web, be1, wg1)


def _k5_body(agg_ref, xw1_ref, dinv_ref, bg1_ref, wg2_ref,
             z1_ref, xw2_ref, y2_ref):
    agg = agg_ref[0] + agg_ref[1]
    dinv = dinv_ref[...]
    z1 = jnp.maximum(dinv * agg + dinv * dinv * xw1_ref[...] + bg1_ref[...],
                     0.0)
    z1_ref[...] = z1
    xw2 = jnp.dot(z1, wg2_ref[...], preferred_element_type=jnp.float32)
    xw2_ref[...] = xw2
    y2_ref[...] = dinv * xw2


def _run_k5(agg1, xw1, dinv, bg1, wg2):
    return pl.pallas_call(
        _k5_body,
        grid=(N // BR,),
        in_specs=[
            pl.BlockSpec((2, BR, DX), lambda r: (jnp.int32(0), r, jnp.int32(0))),
            pl.BlockSpec((BR, DX), lambda r: (r, jnp.int32(0))),
            pl.BlockSpec((BR, 1), lambda r: (r, jnp.int32(0))),
            pl.BlockSpec((1, DX), lambda r: (jnp.int32(0), jnp.int32(0))),
            pl.BlockSpec((DX, DX), lambda r: (jnp.int32(0), jnp.int32(0))),
        ],
        out_specs=[
            pl.BlockSpec((BR, DX), lambda r: (r, jnp.int32(0))),
            pl.BlockSpec((BR, DX), lambda r: (r, jnp.int32(0))),
            pl.BlockSpec((BR, DX), lambda r: (r, jnp.int32(0))),
        ],
        out_shape=[
            jax.ShapeDtypeStruct((N, DX), jnp.float32),
            jax.ShapeDtypeStruct((N, DX), jnp.float32),
            jax.ShapeDtypeStruct((N, DX), jnp.float32),
        ],
    )(agg1, xw1, dinv, bg1, wg2)


def _k6_body(agg_ref, xw2_ref, dinv_ref, z_ref, z1_ref, bg2_ref,
             wa_ref, wb_ref, wc_ref, be2_ref, we3_ref, be3_ref,
             wo_ref, bo_ref, out_ref):
    agg = agg_ref[0] + agg_ref[1]
    dinv = dinv_ref[...]
    z2 = jnp.maximum(dinv * agg + dinv * dinv * xw2_ref[...] + bg2_ref[...],
                     0.0)
    t = jnp.dot(z_ref[...], wa_ref[...], preferred_element_type=jnp.float32)
    t = t + jnp.dot(z1_ref[...], wb_ref[...],
                    preferred_element_type=jnp.float32)
    t = t + jnp.dot(z2, wc_ref[...], preferred_element_type=jnp.float32)
    t = jnp.maximum(t + be2_ref[...], 0.0)
    t = jnp.maximum(jnp.dot(t, we3_ref[...],
                            preferred_element_type=jnp.float32) + be3_ref[...],
                    0.0)
    out_ref[...] = jnp.dot(t, wo_ref[...],
                           preferred_element_type=jnp.float32) + bo_ref[...]


def _run_k6(agg2, xw2, dinv, z, z1, bg2, wa, wb, wc, be2, we3, be3, wo, bo):
    nl = wo.shape[1]
    return pl.pallas_call(
        _k6_body,
        grid=(N // BR,),
        in_specs=[
            pl.BlockSpec((2, BR, DX), lambda r: (jnp.int32(0), r, jnp.int32(0))),
            pl.BlockSpec((BR, DX), lambda r: (r, jnp.int32(0))),
            pl.BlockSpec((BR, 1), lambda r: (r, jnp.int32(0))),
            pl.BlockSpec((BR, DX), lambda r: (r, jnp.int32(0))),
            pl.BlockSpec((BR, DX), lambda r: (r, jnp.int32(0))),
            pl.BlockSpec((1, DX), lambda r: (jnp.int32(0), jnp.int32(0))),
            pl.BlockSpec((DX, DX), lambda r: (jnp.int32(0), jnp.int32(0))),
            pl.BlockSpec((DX, DX), lambda r: (jnp.int32(0), jnp.int32(0))),
            pl.BlockSpec((DX, DX), lambda r: (jnp.int32(0), jnp.int32(0))),
            pl.BlockSpec((1, DX), lambda r: (jnp.int32(0), jnp.int32(0))),
            pl.BlockSpec((DX, DX), lambda r: (jnp.int32(0), jnp.int32(0))),
            pl.BlockSpec((1, DX), lambda r: (jnp.int32(0), jnp.int32(0))),
            pl.BlockSpec((DX, nl), lambda r: (jnp.int32(0), jnp.int32(0))),
            pl.BlockSpec((1, nl), lambda r: (jnp.int32(0), jnp.int32(0))),
        ],
        out_specs=pl.BlockSpec((BR, nl), lambda r: (r, jnp.int32(0))),
        out_shape=jax.ShapeDtypeStruct((N, nl), jnp.float32),
    )(agg2, xw2, dinv, z, z1, bg2, wa, wb, wc, be2, we3, be3, wo, bo)


def kernel(x, gx, edge_index, W_e1, b_e1, W_dr, b_dr, W_g1, b_g1, W_g2, b_g2,
           W_e2, b_e2, W_e3, b_e3, W_j1, b_j1, W_j2, b_j2, W_out, b_out):
    f32 = jnp.float32
    (x, gx, W_e1, b_e1, W_g1, b_g1, W_g2, b_g2, W_e2, b_e2, W_e3, b_e3,
     W_j1, b_j1, W_j2, b_j2, W_out, b_out) = (
        a.astype(f32) for a in
        (x, gx, W_e1, b_e1, W_g1, b_g1, W_g2, b_g2, W_e2, b_e2, W_e3, b_e3,
         W_j1, b_j1, W_j2, b_j2, W_out, b_out))

    w_j1a, w_j1b = W_j1[:DX], W_j1[DX:]
    b_j1r = b_j1.reshape(1, HJ)
    w_j2p = jnp.pad(W_j2, ((0, 0), (0, NP - N)))
    b_j2p = jnp.pad(b_j2, (0, NP - N)).reshape(1, NP)
    x_pad = jnp.pad(x, ((0, NP - N), (0, 0)))

    src = edge_index[0].astype(jnp.int32)
    dst = edge_index[1].astype(jnp.int32)
    src_pad = jnp.pad(src, (0, E3 - E))
    dst_pad = jnp.pad(dst, (0, E3 - E), constant_values=N)
    zeros1d = jnp.zeros((NP,), f32)
    zeros2d = jnp.zeros((NP, DX), f32)

    w_e1a, w_e1b = W_e1[:DX], W_e1[DX:]
    w_e2a, w_e2b, w_e2c = W_e2[:DX], W_e2[DX:2 * DX], W_e2[2 * DX:]

    deg1d = _run_sc_deg(dst_pad, zeros1d)
    deg2d = deg1d.reshape(NP, 1)

    zz, dinv = _run_k2(x, gx, w_j1a, w_j1b, b_j1r, w_j2p, b_j2p)
    dinv_row = jnp.concatenate(
        [dinv.reshape(1, N), jnp.ones((1, NP - N), f32)], axis=1)
    xn = _run_k3(zz, dinv, dinv_row, x_pad)

    z, gdinv, xw1, y1 = _run_k4(xn, gx, deg2d, w_e1a, w_e1b,
                                b_e1.reshape(1, DX), W_g1)
    agg1 = _run_sc_agg(y1, src_pad, dst_pad, zeros2d)
    z1, xw2, y2 = _run_k5(agg1, xw1, gdinv, b_g1.reshape(1, DX), W_g2)
    agg2 = _run_sc_agg(y2, src_pad, dst_pad, zeros2d)
    out = _run_k6(agg2, xw2, gdinv, z, z1, b_g2.reshape(1, DX),
                  w_e2a, w_e2b, w_e2c, b_e2.reshape(1, DX),
                  W_e3, b_e3.reshape(1, DX), W_out, b_out.reshape(1, -1))
    return out.astype(jnp.float64)

# --- scband reference (transcript-rebuilt; emitter-appended) ---
"""Pipeline reference for scband-au-net-3573412790684 (READ-ONLY COPY).

The authoritative reference and input builder live on the scoring server;
editing this copy changes nothing except your own understanding.
"""

import jax, jax.numpy as jnp
import numpy as np
jax.config.update("jax_enable_x64", True)

N = 10000
E = 320000
D_X = 128
INS = 256
H0 = 128
H1 = 128
H2 = 128
OUTS = 128
NUM_LABELS = 12
ADJ = 10000
ALPHA = 0.05
TOPK = 128


def _lin(key, fan_in, fan_out):
    k1, _ = jax.random.split(key)
    W = jax.random.normal(k1, (fan_in, fan_out), jnp.float32) * (1.0 / np.sqrt(fan_in))
    b = jnp.zeros((fan_out,), jnp.float32)
    return W, b


def setup_inputs(seed: int = 0) -> dict:
    key = jax.random.key(seed)
    ks = jax.random.split(key, 12)
    x = jax.random.normal(ks[0], (N, D_X), jnp.float32)
    gx = jax.random.normal(ks[1], (N, H0), jnp.float32)
    edge_index = jax.random.randint(ks[2], (2, E), 0, N, dtype=jnp.int64)
    W_e1, b_e1 = _lin(ks[3], INS, H0)
    W_dr, b_dr = _lin(ks[4], H0, H2)
    W_g1, b_g1 = _lin(ks[5], H0, H1)
    W_g2, b_g2 = _lin(ks[6], H1, H2)
    W_e2, b_e2 = _lin(ks[7], H2 + H1 + H0, H2)
    W_e3, b_e3 = _lin(ks[8], H2, OUTS)
    W_j1, b_j1 = _lin(ks[9], INS, 2048)
    W_j2, b_j2 = _lin(ks[10], 2048, ADJ)
    W_out, b_out = _lin(ks[11], OUTS, NUM_LABELS)
    return {"x": x, "gx": gx, "edge_index": edge_index,
            "W_e1": W_e1, "b_e1": b_e1, "W_dr": W_dr, "b_dr": b_dr,
            "W_g1": W_g1, "b_g1": b_g1, "W_g2": W_g2, "b_g2": b_g2,
            "W_e2": W_e2, "b_e2": b_e2, "W_e3": W_e3, "b_e3": b_e3,
            "W_j1": W_j1, "b_j1": b_j1, "W_j2": W_j2, "b_j2": b_j2,
            "W_out": W_out, "b_out": b_out}


def _gcn(x, edge_index, W, b):
    # standard GCNConv: add self loops, sym-normalize, scatter-add aggregate
    xw = x @ W
    loop = jnp.arange(N, dtype=edge_index.dtype)
    src = jnp.concatenate([edge_index[0], loop])
    dst = jnp.concatenate([edge_index[1], loop])
    deg = jax.ops.segment_sum(jnp.ones(src.shape[0], xw.dtype), dst, num_segments=N)
    dinv = 1.0 / jnp.sqrt(jnp.clip(deg, 1.0, None))
    norm = dinv[src] * dinv[dst]
    out = jax.ops.segment_sum(xw[src] * norm[:, None], dst, num_segments=N)
    return out + b


def _gdc(zz):
    # GDC(self_loop_weight=1, norm_in='sym', coeff diffusion alpha=0.05 (PPR coeffs,
    # truncated at K=1 to avoid an N^3 matmul), topk k=128 over dim=0, norm_out='col')
    idx = jnp.arange(N)
    A = zz.at[idx, idx].add(1.0)
    deg = jnp.sum(A, axis=1)
    dinv = 1.0 / jnp.sqrt(deg)
    T = dinv[:, None] * A * dinv[None, :]
    S = (ALPHA * (1.0 - ALPHA)) * T
    S = S.at[idx, idx].add(ALPHA)
    kth = jax.lax.top_k(S.T, TOPK)[0][:, -1]
    S = jnp.where(S >= kth[None, :], S, 0.0)
    col = jnp.sum(S, axis=0)
    S = S / jnp.where(col == 0.0, 1.0, col)[None, :]
    return S


def reference(x, gx, edge_index, W_e1, b_e1, W_dr, b_dr, W_g1, b_g1, W_g2, b_g2,
              W_e2, b_e2, W_e3, b_e3, W_j1, b_j1, W_j2, b_j2, W_out, b_out):
    # joint_gemb: MLP ins -> 2048 -> adj_dim producing a nonnegative dense adjacency
    xin = jnp.concatenate([x, gx], axis=1)
    h = jax.nn.relu(xin @ W_j1 + b_j1)
    zz = jax.nn.relu(h @ W_j2 + b_j2)
    zz = _gdc(zz)
    # nconv: dense neighborhood aggregation
    xn = zz @ x
    z = jax.nn.relu(jnp.concatenate([xn, gx], axis=1) @ W_e1 + b_e1)
    z0 = z @ W_dr + b_dr
    z1 = jax.nn.relu(_gcn(z + gx, edge_index, W_g1, b_g1))
    z2 = jax.nn.relu(_gcn(z1, edge_index, W_g2, b_g2))
    z = jax.nn.relu(jnp.concatenate([z, z1, z2], axis=1) @ W_e2 + b_e2)
    z = jax.nn.relu(z @ W_e3 + b_e3)
    return z @ W_out + b_out

if __name__ == "__main__":
    import jax
    _d = setup_inputs()
    print(jax.jit(kernel)(*tuple(_d.values())))

</pallas_src>

<mosaic_0001>
#map = affine_map<(d0, d1) -> (0, 0)>
#map1 = affine_map<(d0, d1) -> (0)>
#map2 = affine_map<(d0, d1) -> (0, 0, 0)>
module attributes {stable_mosaic.version = 14 : i64} {
  func.func @_sc_agg_body(%arg0: i32, %arg1: i32, %arg2: memref<10000x128xf32, #tpu.memory_space<hbm>>, %arg3: memref<323584xi32, #tpu.memory_space<hbm>>, %arg4: memref<323584xi32, #tpu.memory_space<hbm>>, %arg5: memref<10240x128xf32, #tpu.memory_space<hbm>>, %arg6: memref<2x10240x128xf32, #tpu.memory_space<hbm>>, %arg7: memref<128xi32, #tpu.memory_space<vmem>>, %arg8: memref<128xi32, #tpu.memory_space<vmem>>, %arg9: memref<128x128xf32, #tpu.memory_space<vmem>>, %arg10: memref<10240x128xf32, #tpu.memory_space<vmem_shared>>, %arg11: memref<!tpu.dma_semaphore, #tpu.memory_space<semaphore_mem>>) attributes {dimension_semantics = [#tpu.dimension_semantics<core_parallel>, #tpu.dimension_semantics<subcore_parallel>], iteration_bounds = array<i64: 2, 16>, scalar_prefetch = 0 : i64, scratch_operands = 5 : i64, tpu.core_type = #tpu.core_type<sc_vector_subcore>, window_params = [{transform_indices = #map}, {transform_indices = #map1}, {transform_indices = #map1}, {transform_indices = #map}, {transform_indices = #map2}]} {
    %mul3A = arith.constant 16 : i32
    %mul3A_0 = arith.muli %arg0, %mul3A : i32
    %add3A = arith.addi %mul3A_0, %arg1 : i32
    %mul3A_1 = arith.constant 640 : i32
    %mul3A_2 = arith.muli %arg1, %mul3A_1 : i32
    "tpu.region"() ({
      %run_scoped3A = tpu.sem_alloc : memref<!tpu.dma_semaphore, #tpu.memory_space<semaphore_mem>>
      %dma_start3A = arith.constant 0 : i32
      %dma_start3A_13 = tpu.memref_slice %arg10[%mul3A_2, %dma_start3A] : memref<10240x128xf32, #tpu.memory_space<vmem_shared>> -> memref<640x128xf32, #tpu.memory_space<vmem_shared>>
      %dma_start3A_14 = arith.constant 0 : i32
      %dma_start3A_15 = tpu.memref_slice %arg5[%mul3A_2, %dma_start3A_14] : memref<10240x128xf32, #tpu.memory_space<hbm>> -> memref<640x128xf32, #tpu.memory_space<hbm>>
      tpu.enqueue_dma source(%dma_start3A_15 : memref<640x128xf32, #tpu.memory_space<hbm>>) target(%dma_start3A_13 : memref<640x128xf32, #tpu.memory_space<vmem_shared>>) target_semaphore(%run_scoped3A : memref<!tpu.dma_semaphore, #tpu.memory_space<semaphore_mem>>)
      %dma_wait3A = arith.constant 0 : i32
      %dma_wait3A_16 = tpu.memref_slice %arg10[%mul3A_2, %dma_wait3A] : memref<10240x128xf32, #tpu.memory_space<vmem_shared>> -> memref<640x128xf32, #tpu.memory_space<vmem_shared>>
      %dma_wait3A_17 = arith.constant 0 : i32
      %dma_wait3A_18 = tpu.memref_slice %arg5[%mul3A_2, %dma_wait3A_17] : memref<10240x128xf32, #tpu.memory_space<hbm>> -> memref<640x128xf32, #tpu.memory_space<hbm>>
      tpu.wait_dma2 semaphore(%run_scoped3A : memref<!tpu.dma_semaphore, #tpu.memory_space<semaphore_mem>>) src(%dma_wait3A_18 : memref<640x128xf32, #tpu.memory_space<hbm>>) dst(%dma_wait3A_16 : memref<640x128xf32, #tpu.memory_space<vmem_shared>>)
      tpu.yield
    }) : () -> ()
    %barrier3A = arith.constant 0 : index
    tpu.barrier barrier_id(%barrier3A)
    %while3A = arith.constant 0 : i32
    %while3A_3 = arith.constant 79 : i32
    %while3A_4 = arith.subi %while3A_3, %while3A : i32
    %while3A_5 = arith.addi %while3A, %while3A_4 : i32
    %while3A_6 = arith.constant 1 : i32
    %while3A_7 = arith.divsi %while3A_4, %while3A_6 : i32
    %while3A_8 = arith.muli %while3A_7, %while3A_6 : i32
    %while3A_9 = arith.addi %while3A, %while3A_8 : i32
    %while3A_10 = arith.constant 1 : i32
    scf.for %while3A_13 = %while3A to %while3A_9 step %while3A_10  : i32 {
      %mul3A_14 = arith.constant 10112 : i32
      %mul3A_15 = arith.muli %add3A, %mul3A_14 : i32
      %mul3A_16 = arith.constant 128 : i32
      %mul3A_17 = arith.muli %while3A_13, %mul3A_16 : i32
      %add3A_18 = arith.addi %mul3A_15, %mul3A_17 : i32
      "tpu.region"() ({
        %run_scoped3A = tpu.sem_alloc : memref<!tpu.dma_semaphore, #tpu.memory_space<semaphore_mem>>
        %dma_start3A_23 = tpu.memref_slice %arg3[%add3A_18] : memref<323584xi32, #tpu.memory_space<hbm>> -> memref<128xi32, #tpu.memory_space<hbm>>
        %dma_start3A_24 = tpu.memref_slice %arg3[%add3A_18] : memref<323584xi32, #tpu.memory_space<hbm>> -> memref<128xi32, #tpu.memory_space<hbm>>
        tpu.enqueue_dma source(%dma_start3A_24 : memref<128xi32, #tpu.memory_space<hbm>>) target(%arg7 : memref<128xi32, #tpu.memory_space<vmem>>) target_semaphore(%run_scoped3A : memref<!tpu.dma_semaphore, #tpu.memory_space<semaphore_mem>>)
        %dma_wait3A_25 = tpu.memref_slice %arg3[%add3A_18] : memref<323584xi32, #tpu.memory_space<hbm>> -> memref<128xi32, #tpu.memory_space<hbm>>
        %dma_wait3A_26 = tpu.memref_slice %arg3[%add3A_18] : memref<323584xi32, #tpu.memory_space<hbm>> -> memref<128xi32, #tpu.memory_space<hbm>>
        tpu.wait_dma2 semaphore(%run_scoped3A : memref<!tpu.dma_semaphore, #tpu.memory_space<semaphore_mem>>) src(%dma_wait3A_26 : memref<128xi32, #tpu.memory_space<hbm>>) dst(%arg7 : memref<128xi32, #tpu.memory_space<vmem>>)
        tpu.yield
      }) : () -> ()
      "tpu.region"() ({
        %run_scoped3A = tpu.sem_alloc : memref<!tpu.dma_semaphore, #tpu.memory_space<semaphore_mem>>
        %dma_start3A_23 = tpu.memref_slice %arg4[%add3A_18] : memref<323584xi32, #tpu.memory_space<hbm>> -> memref<128xi32, #tpu.memory_space<hbm>>
        %dma_start3A_24 = tpu.memref_slice %arg4[%add3A_18] : memref<323584xi32, #tpu.memory_space<hbm>> -> memref<128xi32, #tpu.memory_space<hbm>>
        tpu.enqueue_dma source(%dma_start3A_24 : memref<128xi32, #tpu.memory_space<hbm>>) target(%arg8 : memref<128xi32, #tpu.memory_space<vmem>>) target_semaphore(%run_scoped3A : memref<!tpu.dma_semaphore, #tpu.memory_space<semaphore_mem>>)
        %dma_wait3A_25 = tpu.memref_slice %arg4[%add3A_18] : memref<323584xi32, #tpu.memory_space<hbm>> -> memref<128xi32, #tpu.memory_space<hbm>>
        %dma_wait3A_26 = tpu.memref_slice %arg4[%add3A_18] : memref<323584xi32, #tpu.memory_space<hbm>> -> memref<128xi32, #tpu.memory_space<hbm>>
        tpu.wait_dma2 semaphore(%run_scoped3A : memref<!tpu.dma_semaphore, #tpu.memory_space<semaphore_mem>>) src(%dma_wait3A_26 : memref<128xi32, #tpu.memory_space<hbm>>) dst(%arg8 : memref<128xi32, #tpu.memory_space<vmem>>)
        tpu.yield
      }) : () -> ()
      %dma_start3A = arith.constant 0 : i32
      %dma_start3A_19 = arith.constant 0 : i32
      %dma_start3A_20 = tpu.memref_slice %arg2[%dma_start3A, %dma_start3A_19] : memref<10000x128xf32, #tpu.memory_space<hbm>> -> memref<10000x128xf32, #tpu.memory_space<hbm>>
      tpu.enqueue_indirect_dma source(%dma_start3A_20 : memref<10000x128xf32, #tpu.memory_space<hbm>>) target(%arg9 : memref<128x128xf32, #tpu.memory_space<vmem>>) offsets(%arg7 : memref<128xi32, #tpu.memory_space<vmem>>) semaphore(%arg11 : memref<!tpu.dma_semaphore, #tpu.memory_space<semaphore_mem>>)
      %dma_wait3A = arith.constant 0 : i32
      %dma_wait3A_21 = arith.constant 0 : i32
      %dma_wait3A_22 = tpu.memref_slice %arg2[%dma_wait3A, %dma_wait3A_21] : memref<10000x128xf32, #tpu.memory_space<hbm>> -> memref<10000x128xf32, #tpu.memory_space<hbm>>
      tpu.wait_indirect_dma semaphore(%arg11 : memref<!tpu.dma_semaphore, #tpu.memory_space<semaphore_mem>>) src(%dma_wait3A_22 : memref<10000x128xf32, #tpu.memory_space<hbm>>) dst(%arg9 : memref<128x128xf32, #tpu.memory_space<vmem>>)
      "tpu.region"() ({
        %run_scoped3A = tpu.sem_alloc : memref<!tpu.dma_semaphore, #tpu.memory_space<semaphore_mem>>
        %dma_start3A_23 = arith.constant 0 : i32
        %dma_start3A_24 = arith.constant 0 : i32
        %dma_start3A_25 = tpu.memref_slice %arg10[%dma_start3A_23, %dma_start3A_24] : memref<10240x128xf32, #tpu.memory_space<vmem_shared>> -> memref<10240x128xf32, #tpu.memory_space<vmem_shared>>
        tpu.enqueue_indirect_dma source(%arg9 : memref<128x128xf32, #tpu.memory_space<vmem>>) target(%dma_start3A_25 : memref<10240x128xf32, #tpu.memory_space<vmem_shared>>) offsets(%arg8 : memref<128xi32, #tpu.memory_space<vmem>>) semaphore(%run_scoped3A : memref<!tpu.dma_semaphore, #tpu.memory_space<semaphore_mem>>) {add = true}
        %dma_wait3A_26 = arith.constant 0 : i32
        %dma_wait3A_27 = arith.constant 0 : i32
        %dma_wait3A_28 = tpu.memref_slice %arg10[%dma_wait3A_26, %dma_wait3A_27] : memref<10240x128xf32, #tpu.memory_space<vmem_shared>> -> memref<10240x128xf32, #tpu.memory_space<vmem_shared>>
        tpu.wait_indirect_dma semaphore(%run_scoped3A : memref<!tpu.dma_semaphore, #tpu.memory_space<semaphore_mem>>) src(%arg9 : memref<128x128xf32, #tpu.memory_space<vmem>>) dst(%dma_wait3A_28 : memref<10240x128xf32, #tpu.memory_space<vmem_shared>>)
        tpu.yield
      }) : () -> ()
    }
    %while3A_11 = arith.constant 1 : i32
    scf.for %while3A_13 = %while3A_9 to %while3A_5 step %while3A_11  : i32 {
      %mul3A_14 = arith.constant 10112 : i32
      %mul3A_15 = arith.muli %add3A, %mul3A_14 : i32
      %mul3A_16 = arith.constant 128 : i32
      %mul3A_17 = arith.muli %while3A_13, %mul3A_16 : i32
      %add3A_18 = arith.addi %mul3A_15, %mul3A_17 : i32
      "tpu.region"() ({
        %run_scoped3A = tpu.sem_alloc : memref<!tpu.dma_semaphore, #tpu.memory_space<semaphore_mem>>
        %dma_start3A_23 = tpu.memref_slice %arg3[%add3A_18] : memref<323584xi32, #tpu.memory_space<hbm>> -> memref<128xi32, #tpu.memory_space<hbm>>
        %dma_start3A_24 = tpu.memref_slice %arg3[%add3A_18] : memref<323584xi32, #tpu.memory_space<hbm>> -> memref<128xi32, #tpu.memory_space<hbm>>
        tpu.enqueue_dma source(%dma_start3A_24 : memref<128xi32, #tpu.memory_space<hbm>>) target(%arg7 : memref<128xi32, #tpu.memory_space<vmem>>) target_semaphore(%run_scoped3A : memref<!tpu.dma_semaphore, #tpu.memory_space<semaphore_mem>>)
        %dma_wait3A_25 = tpu.memref_slice %arg3[%add3A_18] : memref<323584xi32, #tpu.memory_space<hbm>> -> memref<128xi32, #tpu.memory_space<hbm>>
        %dma_wait3A_26 = tpu.memref_slice %arg3[%add3A_18] : memref<323584xi32, #tpu.memory_space<hbm>> -> memref<128xi32, #tpu.memory_space<hbm>>
        tpu.wait_dma2 semaphore(%run_scoped3A : memref<!tpu.dma_semaphore, #tpu.memory_space<semaphore_mem>>) src(%dma_wait3A_26 : memref<128xi32, #tpu.memory_space<hbm>>) dst(%arg7 : memref<128xi32, #tpu.memory_space<vmem>>)
        tpu.yield
      }) : () -> ()
      "tpu.region"() ({
        %run_scoped3A = tpu.sem_alloc : memref<!tpu.dma_semaphore, #tpu.memory_space<semaphore_mem>>
        %dma_start3A_23 = tpu.memref_slice %arg4[%add3A_18] : memref<323584xi32, #tpu.memory_space<hbm>> -> memref<128xi32, #tpu.memory_space<hbm>>
        %dma_start3A_24 = tpu.memref_slice %arg4[%add3A_18] : memref<323584xi32, #tpu.memory_space<hbm>> -> memref<128xi32, #tpu.memory_space<hbm>>
        tpu.enqueue_dma source(%dma_start3A_24 : memref<128xi32, #tpu.memory_space<hbm>>) target(%arg8 : memref<128xi32, #tpu.memory_space<vmem>>) target_semaphore(%run_scoped3A : memref<!tpu.dma_semaphore, #tpu.memory_space<semaphore_mem>>)
        %dma_wait3A_25 = tpu.memref_slice %arg4[%add3A_18] : memref<323584xi32, #tpu.memory_space<hbm>> -> memref<128xi32, #tpu.memory_space<hbm>>
        %dma_wait3A_26 = tpu.memref_slice %arg4[%add3A_18] : memref<323584xi32, #tpu.memory_space<hbm>> -> memref<128xi32, #tpu.memory_space<hbm>>
        tpu.wait_dma2 semaphore(%run_scoped3A : memref<!tpu.dma_semaphore, #tpu.memory_space<semaphore_mem>>) src(%dma_wait3A_26 : memref<128xi32, #tpu.memory_space<hbm>>) dst(%arg8 : memref<128xi32, #tpu.memory_space<vmem>>)
        tpu.yield
      }) : () -> ()
      %dma_start3A = arith.constant 0 : i32
      %dma_start3A_19 = arith.constant 0 : i32
      %dma_start3A_20 = tpu.memref_slice %arg2[%dma_start3A, %dma_start3A_19] : memref<10000x128xf32, #tpu.memory_space<hbm>> -> memref<10000x128xf32, #tpu.memory_space<hbm>>
      tpu.enqueue_indirect_dma source(%dma_start3A_20 : memref<10000x128xf32, #tpu.memory_space<hbm>>) target(%arg9 : memref<128x128xf32, #tpu.memory_space<vmem>>) offsets(%arg7 : memref<128xi32, #tpu.memory_space<vmem>>) semaphore(%arg11 : memref<!tpu.dma_semaphore, #tpu.memory_space<semaphore_mem>>)
      %dma_wait3A = arith.constant 0 : i32
      %dma_wait3A_21 = arith.constant 0 : i32
      %dma_wait3A_22 = tpu.memref_slice %arg2[%dma_wait3A, %dma_wait3A_21] : memref<10000x128xf32, #tpu.memory_space<hbm>> -> memref<10000x128xf32, #tpu.memory_space<hbm>>
      tpu.wait_indirect_dma semaphore(%arg11 : memref<!tpu.dma_semaphore, #tpu.memory_space<semaphore_mem>>) src(%dma_wait3A_22 : memref<10000x128xf32, #tpu.memory_space<hbm>>) dst(%arg9 : memref<128x128xf32, #tpu.memory_space<vmem>>)
      "tpu.region"() ({
        %run_scoped3A = tpu.sem_alloc : memref<!tpu.dma_semaphore, #tpu.memory_space<semaphore_mem>>
        %dma_start3A_23 = arith.constant 0 : i32
        %dma_start3A_24 = arith.constant 0 : i32
        %dma_start3A_25 = tpu.memref_slice %arg10[%dma_start3A_23, %dma_start3A_24] : memref<10240x128xf32, #tpu.memory_space<vmem_shared>> -> memref<10240x128xf32, #tpu.memory_space<vmem_shared>>
        tpu.enqueue_indirect_dma source(%arg9 : memref<128x128xf32, #tpu.memory_space<vmem>>) target(%dma_start3A_25 : memref<10240x128xf32, #tpu.memory_space<vmem_shared>>) offsets(%arg8 : memref<128xi32, #tpu.memory_space<vmem>>) semaphore(%run_scoped3A : memref<!tpu.dma_semaphore, #tpu.memory_space<semaphore_mem>>) {add = true}
        %dma_wait3A_26 = arith.constant 0 : i32
        %dma_wait3A_27 = arith.constant 0 : i32
        %dma_wait3A_28 = tpu.memref_slice %arg10[%dma_wait3A_26, %dma_wait3A_27] : memref<10240x128xf32, #tpu.memory_space<vmem_shared>> -> memref<10240x128xf32, #tpu.memory_space<vmem_shared>>
        tpu.wait_indirect_dma semaphore(%run_scoped3A : memref<!tpu.dma_semaphore, #tpu.memory_space<semaphore_mem>>) src(%arg9 : memref<128x128xf32, #tpu.memory_space<vmem>>) dst(%dma_wait3A_28 : memref<10240x128xf32, #tpu.memory_space<vmem_shared>>)
        tpu.yield
      }) : () -> ()
    }
    %barrier3A_12 = arith.constant 0 : index
    tpu.barrier barrier_id(%barrier3A_12)
    "tpu.region"() ({
      %run_scoped3A = tpu.sem_alloc : memref<!tpu.dma_semaphore, #tpu.memory_space<semaphore_mem>>
      %dma_start3A = arith.constant 0 : i32
      %dma_start3A_13 = tpu.memref_slice %arg6[%arg0, %mul3A_2, %dma_start3A] : memref<2x10240x128xf32, #tpu.memory_space<hbm>> -> memref<1x640x128xf32, #tpu.memory_space<hbm>>
      %dma_start3A_14 = tpu.memref_squeeze %dma_start3A_13 : memref<1x640x128xf32, #tpu.memory_space<hbm>> -> memref<640x128xf32, #tpu.memory_space<hbm>>
      %dma_start3A_15 = arith.constant 0 : i32
      %dma_start3A_16 = tpu.memref_slice %arg10[%mul3A_2, %dma_start3A_15] : memref<10240x128xf32, #tpu.memory_space<vmem_shared>> -> memref<640x128xf32, #tpu.memory_space<vmem_shared>>
      tpu.enqueue_dma source(%dma_start3A_16 : memref<640x128xf32, #tpu.memory_space<vmem_shared>>) target(%dma_start3A_14 : memref<640x128xf32, #tpu.memory_space<hbm>>) target_semaphore(%run_scoped3A : memref<!tpu.dma_semaphore, #tpu.memory_space<semaphore_mem>>)
      %dma_wait3A = arith.constant 0 : i32
      %dma_wait3A_17 = tpu.memref_slice %arg6[%arg0, %mul3A_2, %dma_wait3A] : memref<2x10240x128xf32, #tpu.memory_space<hbm>> -> memref<1x640x128xf32, #tpu.memory_space<hbm>>
      %dma_wait3A_18 = tpu.memref_squeeze %dma_wait3A_17 : memref<1x640x128xf32, #tpu.memory_space<hbm>> -> memref<640x128xf32, #tpu.memory_space<hbm>>
      %dma_wait3A_19 = arith.constant 0 : i32
      %dma_wait3A_20 = tpu.memref_slice %arg10[%mul3A_2, %dma_wait3A_19] : memref<10240x128xf32, #tpu.memory_space<vmem_shared>> -> memref<640x128xf32, #tpu.memory_space<vmem_shared>>
      tpu.wait_dma2 semaphore(%run_scoped3A : memref<!tpu.dma_semaphore, #tpu.memory_space<semaphore_mem>>) src(%dma_wait3A_20 : memref<640x128xf32, #tpu.memory_space<vmem_shared>>) dst(%dma_wait3A_18 : memref<640x128xf32, #tpu.memory_space<hbm>>)
      tpu.yield
    }) : () -> ()
    return
  }
}

#map = affine_map<(d0, d1) -> (0)>
module attributes {stable_mosaic.version = 14 : i64} {
  func.func @_sc_deg_body(%arg0: i32, %arg1: i32, %arg2: memref<323584xi32, #tpu.memory_space<hbm>>, %arg3: memref<10240xf32, #tpu.memory_space<hbm>>, %arg4: memref<10240xf32, #tpu.memory_space<hbm>>, %arg5: memref<128xi32, #tpu.memory_space<vmem>>, %arg6: memref<128xf32, #tpu.memory_space<vmem>>, %arg7: memref<10240xf32, #tpu.memory_space<vmem_shared>>) attributes {dimension_semantics = [#tpu.dimension_semantics<core_parallel>, #tpu.dimension_semantics<subcore_parallel>], iteration_bounds = array<i64: 2, 16>, scalar_prefetch = 0 : i64, scratch_operands = 3 : i64, tpu.core_type = #tpu.core_type<sc_vector_subcore>, window_params = [{transform_indices = #map}, {transform_indices = #map}, {transform_indices = #map}]} {
    %mul3A = arith.constant 640 : i32
    %mul3A_0 = arith.muli %arg1, %mul3A : i32
    %eq3A = arith.constant 0 : i32
    %eq3A_1 = arith.cmpi eq, %arg0, %eq3A : i32
    %convert_element_type3A = arith.extui %eq3A_1 : i1 to i32
    %cond3A = arith.constant 0 : i32
    %cond3A_2 = arith.cmpi ne, %convert_element_type3A, %cond3A : i32
    scf.if %cond3A_2 {
      "tpu.region"() ({
        %run_scoped3A = tpu.sem_alloc : memref<!tpu.dma_semaphore, #tpu.memory_space<semaphore_mem>>
        %dma_start3A = tpu.memref_slice %arg7[%mul3A_0] : memref<10240xf32, #tpu.memory_space<vmem_shared>> -> memref<640xf32, #tpu.memory_space<vmem_shared>>
        %dma_start3A_69 = tpu.memref_slice %arg3[%mul3A_0] : memref<10240xf32, #tpu.memory_space<hbm>> -> memref<640xf32, #tpu.memory_space<hbm>>
        tpu.enqueue_dma source(%dma_start3A_69 : memref<640xf32, #tpu.memory_space<hbm>>) target(%dma_start3A : memref<640xf32, #tpu.memory_space<vmem_shared>>) target_semaphore(%run_scoped3A : memref<!tpu.dma_semaphore, #tpu.memory_space<semaphore_mem>>)
        %dma_wait3A = tpu.memref_slice %arg7[%mul3A_0] : memref<10240xf32, #tpu.memory_space<vmem_shared>> -> memref<640xf32, #tpu.memory_space<vmem_shared>>
        %dma_wait3A_70 = tpu.memref_slice %arg3[%mul3A_0] : memref<10240xf32, #tpu.memory_space<hbm>> -> memref<640xf32, #tpu.memory_space<hbm>>
        tpu.wait_dma2 semaphore(%run_scoped3A : memref<!tpu.dma_semaphore, #tpu.memory_space<semaphore_mem>>) src(%dma_wait3A_70 : memref<640xf32, #tpu.memory_space<hbm>>) dst(%dma_wait3A : memref<640xf32, #tpu.memory_space<vmem_shared>>)
        tpu.yield
      }) : () -> ()
      %broadcast_in_dim3A = arith.constant 1.000000e+00 : f32
      %broadcast_in_dim3A_3 = vector.broadcast %broadcast_in_dim3A : f32 to vector<16xf32>
      %swap3A = arith.constant 0 : index
      %swap3A_4 = tpu.vector_load %arg6[%swap3A] {strides = array<i32>} : memref<128xf32, #tpu.memory_space<vmem>>, vector<16xf32>,
      %swap3A_5 = vector.shape_cast %swap3A_4 : vector<16xf32> to vector<16xf32>
      %swap3A_6 = vector.shape_cast %broadcast_in_dim3A_3 : vector<16xf32> to vector<16xf32>
      tpu.vector_store %arg6[%swap3A], %swap3A_6 {strides = array<i32>} : memref<128xf32, #tpu.memory_space<vmem>>, vector<16xf32>,
      %broadcast_in_dim3A_7 = arith.constant 1.000000e+00 : f32
      %broadcast_in_dim3A_8 = vector.broadcast %broadcast_in_dim3A_7 : f32 to vector<16xf32>
      %swap3A_9 = arith.constant 16 : index
      %swap3A_10 = tpu.vector_load %arg6[%swap3A_9] {strides = array<i32>} : memref<128xf32, #tpu.memory_space<vmem>>, vector<16xf32>,
      %swap3A_11 = vector.shape_cast %swap3A_10 : vector<16xf32> to vector<16xf32>
      %swap3A_12 = vector.shape_cast %broadcast_in_dim3A_8 : vector<16xf32> to vector<16xf32>
      tpu.vector_store %arg6[%swap3A_9], %swap3A_12 {strides = array<i32>} : memref<128xf32, #tpu.memory_space<vmem>>, vector<16xf32>,
      %broadcast_in_dim3A_13 = arith.constant 1.000000e+00 : f32
      %broadcast_in_dim3A_14 = vector.broadcast %broadcast_in_dim3A_13 : f32 to vector<16xf32>
      %swap3A_15 = arith.constant 32 : index
      %swap3A_16 = tpu.vector_load %arg6[%swap3A_15] {strides = array<i32>} : memref<128xf32, #tpu.memory_space<vmem>>, vector<16xf32>,
      %swap3A_17 = vector.shape_cast %swap3A_16 : vector<16xf32> to vector<16xf32>
      %swap3A_18 = vector.shape_cast %broadcast_in_dim3A_14 : vector<16xf32> to vector<16xf32>
      tpu.vector_store %arg6[%swap3A_15], %swap3A_18 {strides = array<i32>} : memref<128xf32, #tpu.memory_space<vmem>>, vector<16xf32>,
      %broadcast_in_dim3A_19 = arith.constant 1.000000e+00 : f32
      %broadcast_in_dim3A_20 = vector.broadcast %broadcast_in_dim3A_19 : f32 to vector<16xf32>
      %swap3A_21 = arith.constant 48 : index
      %swap3A_22 = tpu.vector_load %arg6[%swap3A_21] {strides = array<i32>} : memref<128xf32, #tpu.memory_space<vmem>>, vector<16xf32>,
      %swap3A_23 = vector.shape_cast %swap3A_22 : vector<16xf32> to vector<16xf32>
      %swap3A_24 = vector.shape_cast %broadcast_in_dim3A_20 : vector<16xf32> to vector<16xf32>
      tpu.vector_store %arg6[%swap3A_21], %swap3A_24 {strides = array<i32>} : memref<128xf32, #tpu.memory_space<vmem>>, vector<16xf32>,
      %broadcast_in_dim3A_25 = arith.constant 1.000000e+00 : f32
      %broadcast_in_dim3A_26 = vector.broadcast %broadcast_in_dim3A_25 : f32 to vector<16xf32>
      %swap3A_27 = arith.constant 64 : index
      %swap3A_28 = tpu.vector_load %arg6[%swap3A_27] {strides = array<i32>} : memref<128xf32, #tpu.memory_space<vmem>>, vector<16xf32>,
      %swap3A_29 = vector.shape_cast %swap3A_28 : vector<16xf32> to vector<16xf32>
      %swap3A_30 = vector.shape_cast %broadcast_in_dim3A_26 : vector<16xf32> to vector<16xf32>
      tpu.vector_store %arg6[%swap3A_27], %swap3A_30 {strides = array<i32>} : memref<128xf32, #tpu.memory_space<vmem>>, vector<16xf32>,
      %broadcast_in_dim3A_31 = arith.constant 1.000000e+00 : f32
      %broadcast_in_dim3A_32 = vector.broadcast %broadcast_in_dim3A_31 : f32 to vector<16xf32>
      %swap3A_33 = arith.constant 80 : index
      %swap3A_34 = tpu.vector_load %arg6[%swap3A_33] {strides = array<i32>} : memref<128xf32, #tpu.memory_space<vmem>>, vector<16xf32>,
      %swap3A_35 = vector.shape_cast %swap3A_34 : vector<16xf32> to vector<16xf32>
      %swap3A_36 = vector.shape_cast %broadcast_in_dim3A_32 : vector<16xf32> to vector<16xf32>
      tpu.vector_store %arg6[%swap3A_33], %swap3A_36 {strides = array<i32>} : memref<128xf32, #tpu.memory_space<vmem>>, vector<16xf32>,
      %broadcast_in_dim3A_37 = arith.constant 1.000000e+00 : f32
      %broadcast_in_dim3A_38 = vector.broadcast %broadcast_in_dim3A_37 : f32 to vector<16xf32>
      %swap3A_39 = arith.constant 96 : index
      %swap3A_40 = tpu.vector_load %arg6[%swap3A_39] {strides = array<i32>} : memref<128xf32, #tpu.memory_space<vmem>>, vector<16xf32>,
      %swap3A_41 = vector.shape_cast %swap3A_40 : vector<16xf32> to vector<16xf32>
      %swap3A_42 = vector.shape_cast %broadcast_in_dim3A_38 : vector<16xf32> to vector<16xf32>
      tpu.vector_store %arg6[%swap3A_39], %swap3A_42 {strides = array<i32>} : memref<128xf32, #tpu.memory_space<vmem>>, vector<16xf32>,
      %broadcast_in_dim3A_43 = arith.constant 1.000000e+00 : f32
      %broadcast_in_dim3A_44 = vector.broadcast %broadcast_in_dim3A_43 : f32 to vector<16xf32>
      %swap3A_45 = arith.constant 112 : index
      %swap3A_46 = tpu.vector_load %arg6[%swap3A_45] {strides = array<i32>} : memref<128xf32, #tpu.memory_space<vmem>>, vector<16xf32>,
      %swap3A_47 = vector.shape_cast %swap3A_46 : vector<16xf32> to vector<16xf32>
      %swap3A_48 = vector.shape_cast %broadcast_in_dim3A_44 : vector<16xf32> to vector<16xf32>
      tpu.vector_store %arg6[%swap3A_45], %swap3A_48 {strides = array<i32>} : memref<128xf32, #tpu.memory_space<vmem>>, vector<16xf32>,
      %barrier3A = arith.constant 0 : index
      tpu.barrier barrier_id(%barrier3A)
      %while3A = arith.constant 0 : i32
      %while3A_49 = arith.constant 79 : i32
      %while3A_50 = arith.subi %while3A_49, %while3A : i32
      %while3A_51 = arith.addi %while3A, %while3A_50 : i32
      %while3A_52 = arith.constant 1 : i32
      %while3A_53 = arith.divsi %while3A_50, %while3A_52 : i32
      %while3A_54 = arith.muli %while3A_53, %while3A_52 : i32
      %while3A_55 = arith.addi %while3A, %while3A_54 : i32
      %while3A_56 = arith.constant 1 : i32
      scf.for %while3A_69 = %while3A to %while3A_55 step %while3A_56  : i32 {
        %add3A = arith.constant 0 : i32
        %add3A_70 = arith.addi %arg1, %add3A : i32
        %mul3A_71 = arith.constant 10112 : i32
        %mul3A_72 = arith.muli %add3A_70, %mul3A_71 : i32
        %mul3A_73 = arith.constant 128 : i32
        %mul3A_74 = arith.muli %while3A_69, %mul3A_73 : i32
        %add3A_75 = arith.addi %mul3A_72, %mul3A_74 : i32
        "tpu.region"() ({
          %run_scoped3A = tpu.sem_alloc : memref<!tpu.dma_semaphore, #tpu.memory_space<semaphore_mem>>
          %dma_start3A = tpu.memref_slice %arg2[%add3A_75] : memref<323584xi32, #tpu.memory_space<hbm>> -> memref<128xi32, #tpu.memory_space<hbm>>
          %dma_start3A_76 = tpu.memref_slice %arg2[%add3A_75] : memref<323584xi32, #tpu.memory_space<hbm>> -> memref<128xi32, #tpu.memory_space<hbm>>
          tpu.enqueue_dma source(%dma_start3A_76 : memref<128xi32, #tpu.memory_space<hbm>>) target(%arg5 : memref<128xi32, #tpu.memory_space<vmem>>) target_semaphore(%run_scoped3A : memref<!tpu.dma_semaphore, #tpu.memory_space<semaphore_mem>>)
          %dma_wait3A = tpu.memref_slice %arg2[%add3A_75] : memref<323584xi32, #tpu.memory_space<hbm>> -> memref<128xi32, #tpu.memory_space<hbm>>
          %dma_wait3A_77 = tpu.memref_slice %arg2[%add3A_75] : memref<323584xi32, #tpu.memory_space<hbm>> -> memref<128xi32, #tpu.memory_space<hbm>>
          tpu.wait_dma2 semaphore(%run_scoped3A : memref<!tpu.dma_semaphore, #tpu.memory_space<semaphore_mem>>) src(%dma_wait3A_77 : memref<128xi32, #tpu.memory_space<hbm>>) dst(%arg5 : memref<128xi32, #tpu.memory_space<vmem>>)
          tpu.yield
        }) : () -> ()
        "tpu.region"() ({
          %run_scoped3A = tpu.sem_alloc : memref<!tpu.dma_semaphore, #tpu.memory_space<semaphore_mem>>
          %dma_start3A = arith.constant 0 : i32
          %dma_start3A_76 = tpu.memref_slice %arg7[%dma_start3A] : memref<10240xf32, #tpu.memory_space<vmem_shared>> -> memref<10240xf32, #tpu.memory_space<vmem_shared>>
          tpu.enqueue_indirect_dma source(%arg6 : memref<128xf32, #tpu.memory_space<vmem>>) target(%dma_start3A_76 : memref<10240xf32, #tpu.memory_space<vmem_shared>>) offsets(%arg5 : memref<128xi32, #tpu.memory_space<vmem>>) semaphore(%run_scoped3A : memref<!tpu.dma_semaphore, #tpu.memory_space<semaphore_mem>>) {add = true}
          %dma_wait3A = arith.constant 0 : i32
          %dma_wait3A_77 = tpu.memref_slice %arg7[%dma_wait3A] : memref<10240xf32, #tpu.memory_space<vmem_shared>> -> memref<10240xf32, #tpu.memory_space<vmem_shared>>
          tpu.wait_indirect_dma semaphore(%run_scoped3A : memref<!tpu.dma_semaphore, #tpu.memory_space<semaphore_mem>>) src(%arg6 : memref<128xf32, #tpu.memory_space<vmem>>) dst(%dma_wait3A_77 : memref<10240xf32, #tpu.memory_space<vmem_shared>>)
          tpu.yield
        }) : () -> ()
      }
      %while3A_57 = arith.constant 1 : i32
      scf.for %while3A_69 = %while3A_55 to %while3A_51 step %while3A_57  : i32 {
        %add3A = arith.constant 0 : i32
        %add3A_70 = arith.addi %arg1, %add3A : i32
        %mul3A_71 = arith.constant 10112 : i32
        %mul3A_72 = arith.muli %add3A_70, %mul3A_71 : i32
        %mul3A_73 = arith.constant 128 : i32
        %mul3A_74 = arith.muli %while3A_69, %mul3A_73 : i32
        %add3A_75 = arith.addi %mul3A_72, %mul3A_74 : i32
        "tpu.region"() ({
          %run_scoped3A = tpu.sem_alloc : memref<!tpu.dma_semaphore, #tpu.memory_space<semaphore_mem>>
          %dma_start3A = tpu.memref_slice %arg2[%add3A_75] : memref<323584xi32, #tpu.memory_space<hbm>> -> memref<128xi32, #tpu.memory_space<hbm>>
          %dma_start3A_76 = tpu.memref_slice %arg2[%add3A_75] : memref<323584xi32, #tpu.memory_space<hbm>> -> memref<128xi32, #tpu.memory_space<hbm>>
          tpu.enqueue_dma source(%dma_start3A_76 : memref<128xi32, #tpu.memory_space<hbm>>) target(%arg5 : memref<128xi32, #tpu.memory_space<vmem>>) target_semaphore(%run_scoped3A : memref<!tpu.dma_semaphore, #tpu.memory_space<semaphore_mem>>)
          %dma_wait3A = tpu.memref_slice %arg2[%add3A_75] : memref<323584xi32, #tpu.memory_space<hbm>> -> memref<128xi32, #tpu.memory_space<hbm>>
          %dma_wait3A_77 = tpu.memref_slice %arg2[%add3A_75] : memref<323584xi32, #tpu.memory_space<hbm>> -> memref<128xi32, #tpu.memory_space<hbm>>
          tpu.wait_dma2 semaphore(%run_scoped3A : memref<!tpu.dma_semaphore, #tpu.memory_space<semaphore_mem>>) src(%dma_wait3A_77 : memref<128xi32, #tpu.memory_space<hbm>>) dst(%arg5 : memref<128xi32, #tpu.memory_space<vmem>>)
          tpu.yield
        }) : () -> ()
        "tpu.region"() ({
          %run_scoped3A = tpu.sem_alloc : memref<!tpu.dma_semaphore, #tpu.memory_space<semaphore_mem>>
          %dma_start3A = arith.constant 0 : i32
          %dma_start3A_76 = tpu.memref_slice %arg7[%dma_start3A] : memref<10240xf32, #tpu.memory_space<vmem_shared>> -> memref<10240xf32, #tpu.memory_space<vmem_shared>>
          tpu.enqueue_indirect_dma source(%arg6 : memref<128xf32, #tpu.memory_space<vmem>>) target(%dma_start3A_76 : memref<10240xf32, #tpu.memory_space<vmem_shared>>) offsets(%arg5 : memref<128xi32, #tpu.memory_space<vmem>>) semaphore(%run_scoped3A : memref<!tpu.dma_semaphore, #tpu.memory_space<semaphore_mem>>) {add = true}
          %dma_wait3A = arith.constant 0 : i32
          %dma_wait3A_77 = tpu.memref_slice %arg7[%dma_wait3A] : memref<10240xf32, #tpu.memory_space<vmem_shared>> -> memref<10240xf32, #tpu.memory_space<vmem_shared>>
          tpu.wait_indirect_dma semaphore(%run_scoped3A : memref<!tpu.dma_semaphore, #tpu.memory_space<semaphore_mem>>) src(%arg6 : memref<128xf32, #tpu.memory_space<vmem>>) dst(%dma_wait3A_77 : memref<10240xf32, #tpu.memory_space<vmem_shared>>)
          tpu.yield
        }) : () -> ()
      }
      %while3A_58 = arith.constant 0 : i32
      %while3A_59 = arith.constant 79 : i32
      %while3A_60 = arith.subi %while3A_59, %while3A_58 : i32
      %while3A_61 = arith.addi %while3A_58, %while3A_60 : i32
      %while3A_62 = arith.constant 1 : i32
      %while3A_63 = arith.divsi %while3A_60, %while3A_62 : i32
      %while3A_64 = arith.muli %while3A_63, %while3A_62 : i32
      %while3A_65 = arith.addi %while3A_58, %while3A_64 : i32
      %while3A_66 = arith.constant 1 : i32
      scf.for %while3A_69 = %while3A_58 to %while3A_65 step %while3A_66  : i32 {
        %add3A = arith.constant 16 : i32
        %add3A_70 = arith.addi %arg1, %add3A : i32
        %mul3A_71 = arith.constant 10112 : i32
        %mul3A_72 = arith.muli %add3A_70, %mul3A_71 : i32
        %mul3A_73 = arith.constant 128 : i32
        %mul3A_74 = arith.muli %while3A_69, %mul3A_73 : i32
        %add3A_75 = arith.addi %mul3A_72, %mul3A_74 : i32
        "tpu.region"() ({
          %run_scoped3A = tpu.sem_alloc : memref<!tpu.dma_semaphore, #tpu.memory_space<semaphore_mem>>
          %dma_start3A = tpu.memref_slice %arg2[%add3A_75] : memref<323584xi32, #tpu.memory_space<hbm>> -> memref<128xi32, #tpu.memory_space<hbm>>
          %dma_start3A_76 = tpu.memref_slice %arg2[%add3A_75] : memref<323584xi32, #tpu.memory_space<hbm>> -> memref<128xi32, #tpu.memory_space<hbm>>
          tpu.enqueue_dma source(%dma_start3A_76 : memref<128xi32, #tpu.memory_space<hbm>>) target(%arg5 : memref<128xi32, #tpu.memory_space<vmem>>) target_semaphore(%run_scoped3A : memref<!tpu.dma_semaphore, #tpu.memory_space<semaphore_mem>>)
          %dma_wait3A = tpu.memref_slice %arg2[%add3A_75] : memref<323584xi32, #tpu.memory_space<hbm>> -> memref<128xi32, #tpu.memory_space<hbm>>
          %dma_wait3A_77 = tpu.memref_slice %arg2[%add3A_75] : memref<323584xi32, #tpu.memory_space<hbm>> -> memref<128xi32, #tpu.memory_space<hbm>>
          tpu.wait_dma2 semaphore(%run_scoped3A : memref<!tpu.dma_semaphore, #tpu.memory_space<semaphore_mem>>) src(%dma_wait3A_77 : memref<128xi32, #tpu.memory_space<hbm>>) dst(%arg5 : memref<128xi32, #tpu.memory_space<vmem>>)
          tpu.yield
        }) : () -> ()
        "tpu.region"() ({
          %run_scoped3A = tpu.sem_alloc : memref<!tpu.dma_semaphore, #tpu.memory_space<semaphore_mem>>
          %dma_start3A = arith.constant 0 : i32
          %dma_start3A_76 = tpu.memref_slice %arg7[%dma_start3A] : memref<10240xf32, #tpu.memory_space<vmem_shared>> -> memref<10240xf32, #tpu.memory_space<vmem_shared>>
          tpu.enqueue_indirect_dma source(%arg6 : memref<128xf32, #tpu.memory_space<vmem>>) target(%dma_start3A_76 : memref<10240xf32, #tpu.memory_space<vmem_shared>>) offsets(%arg5 : memref<128xi32, #tpu.memory_space<vmem>>) semaphore(%run_scoped3A : memref<!tpu.dma_semaphore, #tpu.memory_space<semaphore_mem>>) {add = true}
          %dma_wait3A = arith.constant 0 : i32
          %dma_wait3A_77 = tpu.memref_slice %arg7[%dma_wait3A] : memref<10240xf32, #tpu.memory_space<vmem_shared>> -> memref<10240xf32, #tpu.memory_space<vmem_shared>>
          tpu.wait_indirect_dma semaphore(%run_scoped3A : memref<!tpu.dma_semaphore, #tpu.memory_space<semaphore_mem>>) src(%arg6 : memref<128xf32, #tpu.memory_space<vmem>>) dst(%dma_wait3A_77 : memref<10240xf32, #tpu.memory_space<vmem_shared>>)
          tpu.yield
        }) : () -> ()
      }
      %while3A_67 = arith.constant 1 : i32
      scf.for %while3A_69 = %while3A_65 to %while3A_61 step %while3A_67  : i32 {
        %add3A = arith.constant 16 : i32
        %add3A_70 = arith.addi %arg1, %add3A : i32
        %mul3A_71 = arith.constant 10112 : i32
        %mul3A_72 = arith.muli %add3A_70, %mul3A_71 : i32
        %mul3A_73 = arith.constant 128 : i32
        %mul3A_74 = arith.muli %while3A_69, %mul3A_73 : i32
        %add3A_75 = arith.addi %mul3A_72, %mul3A_74 : i32
        "tpu.region"() ({
          %run_scoped3A = tpu.sem_alloc : memref<!tpu.dma_semaphore, #tpu.memory_space<semaphore_mem>>
          %dma_start3A = tpu.memref_slice %arg2[%add3A_75] : memref<323584xi32, #tpu.memory_space<hbm>> -> memref<128xi32, #tpu.memory_space<hbm>>
          %dma_start3A_76 = tpu.memref_slice %arg2[%add3A_75] : memref<323584xi32, #tpu.memory_space<hbm>> -> memref<128xi32, #tpu.memory_space<hbm>>
          tpu.enqueue_dma source(%dma_start3A_76 : memref<128xi32, #tpu.memory_space<hbm>>) target(%arg5 : memref<128xi32, #tpu.memory_space<vmem>>) target_semaphore(%run_scoped3A : memref<!tpu.dma_semaphore, #tpu.memory_space<semaphore_mem>>)
          %dma_wait3A = tpu.memref_slice %arg2[%add3A_75] : memref<323584xi32, #tpu.memory_space<hbm>> -> memref<128xi32, #tpu.memory_space<hbm>>
          %dma_wait3A_77 = tpu.memref_slice %arg2[%add3A_75] : memref<323584xi32, #tpu.memory_space<hbm>> -> memref<128xi32, #tpu.memory_space<hbm>>
          tpu.wait_dma2 semaphore(%run_scoped3A : memref<!tpu.dma_semaphore, #tpu.memory_space<semaphore_mem>>) src(%dma_wait3A_77 : memref<128xi32, #tpu.memory_space<hbm>>) dst(%arg5 : memref<128xi32, #tpu.memory_space<vmem>>)
          tpu.yield
        }) : () -> ()
        "tpu.region"() ({
          %run_scoped3A = tpu.sem_alloc : memref<!tpu.dma_semaphore, #tpu.memory_space<semaphore_mem>>
          %dma_start3A = arith.constant 0 : i32
          %dma_start3A_76 = tpu.memref_slice %arg7[%dma_start3A] : memref<10240xf32, #tpu.memory_space<vmem_shared>> -> memref<10240xf32, #tpu.memory_space<vmem_shared>>
          tpu.enqueue_indirect_dma source(%arg6 : memref<128xf32, #tpu.memory_space<vmem>>) target(%dma_start3A_76 : memref<10240xf32, #tpu.memory_space<vmem_shared>>) offsets(%arg5 : memref<128xi32, #tpu.memory_space<vmem>>) semaphore(%run_scoped3A : memref<!tpu.dma_semaphore, #tpu.memory_space<semaphore_mem>>) {add = true}
          %dma_wait3A = arith.constant 0 : i32
          %dma_wait3A_77 = tpu.memref_slice %arg7[%dma_wait3A] : memref<10240xf32, #tpu.memory_space<vmem_shared>> -> memref<10240xf32, #tpu.memory_space<vmem_shared>>
          tpu.wait_indirect_dma semaphore(%run_scoped3A : memref<!tpu.dma_semaphore, #tpu.memory_space<semaphore_mem>>) src(%arg6 : memref<128xf32, #tpu.memory_space<vmem>>) dst(%dma_wait3A_77 : memref<10240xf32, #tpu.memory_space<vmem_shared>>)
          tpu.yield
        }) : () -> ()
      }
      %barrier3A_68 = arith.constant 0 : index
      tpu.barrier barrier_id(%barrier3A_68)
      "tpu.region"() ({
        %run_scoped3A = tpu.sem_alloc : memref<!tpu.dma_semaphore, #tpu.memory_space<semaphore_mem>>
        %dma_start3A = tpu.memref_slice %arg4[%mul3A_0] : memref<10240xf32, #tpu.memory_space<hbm>> -> memref<640xf32, #tpu.memory_space<hbm>>
        %dma_start3A_69 = tpu.memref_slice %arg7[%mul3A_0] : memref<10240xf32, #tpu.memory_space<vmem_shared>> -> memref<640xf32, #tpu.memory_space<vmem_shared>>
        tpu.enqueue_dma source(%dma_start3A_69 : memref<640xf32, #tpu.memory_space<vmem_shared>>) target(%dma_start3A : memref<640xf32, #tpu.memory_space<hbm>>) target_semaphore(%run_scoped3A : memref<!tpu.dma_semaphore, #tpu.memory_space<semaphore_mem>>)
        %dma_wait3A = tpu.memref_slice %arg4[%mul3A_0] : memref<10240xf32, #tpu.memory_space<hbm>> -> memref<640xf32, #tpu.memory_space<hbm>>
        %dma_wait3A_70 = tpu.memref_slice %arg7[%mul3A_0] : memref<10240xf32, #tpu.memory_space<vmem_shared>> -> memref<640xf32, #tpu.memory_space<vmem_shared>>
        tpu.wait_dma2 semaphore(%run_scoped3A : memref<!tpu.dma_semaphore, #tpu.memory_space<semaphore_mem>>) src(%dma_wait3A_70 : memref<640xf32, #tpu.memory_space<vmem_shared>>) dst(%dma_wait3A : memref<640xf32, #tpu.memory_space<hbm>>)
        tpu.yield
      }) : () -> ()
    } else {
    }
    return
  }
}

#map = affine_map<(d0, d1) -> (0, 0)>
#map1 = affine_map<(d0, d1) -> (0)>
#map2 = affine_map<(d0, d1) -> (0, 0, 0)>
module attributes {stable_mosaic.version = 14 : i64} {
  func.func @_sc_agg_body(%arg0: i32, %arg1: i32, %arg2: memref<10000x128xf32, #tpu.memory_space<hbm>>, %arg3: memref<323584xi32, #tpu.memory_space<hbm>>, %arg4: memref<323584xi32, #tpu.memory_space<hbm>>, %arg5: memref<10240x128xf32, #tpu.memory_space<hbm>>, %arg6: memref<2x10240x128xf32, #tpu.memory_space<hbm>>, %arg7: memref<128xi32, #tpu.memory_space<vmem>>, %arg8: memref<128xi32, #tpu.memory_space<vmem>>, %arg9: memref<128x128xf32, #tpu.memory_space<vmem>>, %arg10: memref<10240x128xf32, #tpu.memory_space<vmem_shared>>, %arg11: memref<!tpu.dma_semaphore, #tpu.memory_space<semaphore_mem>>) attributes {dimension_semantics = [#tpu.dimension_semantics<core_parallel>, #tpu.dimension_semantics<subcore_parallel>], iteration_bounds = array<i64: 2, 16>, scalar_prefetch = 0 : i64, scratch_operands = 5 : i64, tpu.core_type = #tpu.core_type<sc_vector_subcore>, window_params = [{transform_indices = #map}, {transform_indices = #map1}, {transform_indices = #map1}, {transform_indices = #map}, {transform_indices = #map2}]} {
    %mul3A = arith.constant 16 : i32
    %mul3A_0 = arith.muli %arg0, %mul3A : i32
    %add3A = arith.addi %mul3A_0, %arg1 : i32
    %mul3A_1 = arith.constant 640 : i32
    %mul3A_2 = arith.muli %arg1, %mul3A_1 : i32
    "tpu.region"() ({
      %run_scoped3A = tpu.sem_alloc : memref<!tpu.dma_semaphore, #tpu.memory_space<semaphore_mem>>
      %dma_start3A = arith.constant 0 : i32
      %dma_start3A_13 = tpu.memref_slice %arg10[%mul3A_2, %dma_start3A] : memref<10240x128xf32, #tpu.memory_space<vmem_shared>> -> memref<640x128xf32, #tpu.memory_space<vmem_shared>>
      %dma_start3A_14 = arith.constant 0 : i32
      %dma_start3A_15 = tpu.memref_slice %arg5[%mul3A_2, %dma_start3A_14] : memref<10240x128xf32, #tpu.memory_space<hbm>> -> memref<640x128xf32, #tpu.memory_space<hbm>>
      tpu.enqueue_dma source(%dma_start3A_15 : memref<640x128xf32, #tpu.memory_space<hbm>>) target(%dma_start3A_13 : memref<640x128xf32, #tpu.memory_space<vmem_shared>>) target_semaphore(%run_scoped3A : memref<!tpu.dma_semaphore, #tpu.memory_space<semaphore_mem>>)
      %dma_wait3A = arith.constant 0 : i32
      %dma_wait3A_16 = tpu.memref_slice %arg10[%mul3A_2, %dma_wait3A] : memref<10240x128xf32, #tpu.memory_space<vmem_shared>> -> memref<640x128xf32, #tpu.memory_space<vmem_shared>>
      %dma_wait3A_17 = arith.constant 0 : i32
      %dma_wait3A_18 = tpu.memref_slice %arg5[%mul3A_2, %dma_wait3A_17] : memref<10240x128xf32, #tpu.memory_space<hbm>> -> memref<640x128xf32, #tpu.memory_space<hbm>>
      tpu.wait_dma2 semaphore(%run_scoped3A : memref<!tpu.dma_semaphore, #tpu.memory_space<semaphore_mem>>) src(%dma_wait3A_18 : memref<640x128xf32, #tpu.memory_space<hbm>>) dst(%dma_wait3A_16 : memref<640x128xf32, #tpu.memory_space<vmem_shared>>)
      tpu.yield
    }) : () -> ()
    %barrier3A = arith.constant 0 : index
    tpu.barrier barrier_id(%barrier3A)
    %while3A = arith.constant 0 : i32
    %while3A_3 = arith.constant 79 : i32
    %while3A_4 = arith.subi %while3A_3, %while3A : i32
    %while3A_5 = arith.addi %while3A, %while3A_4 : i32
    %while3A_6 = arith.constant 1 : i32
    %while3A_7 = arith.divsi %while3A_4, %while3A_6 : i32
    %while3A_8 = arith.muli %while3A_7, %while3A_6 : i32
    %while3A_9 = arith.addi %while3A, %while3A_8 : i32
    %while3A_10 = arith.constant 1 : i32
    scf.for %while3A_13 = %while3A to %while3A_9 step %while3A_10  : i32 {
      %mul3A_14 = arith.constant 10112 : i32
      %mul3A_15 = arith.muli %add3A, %mul3A_14 : i32
      %mul3A_16 = arith.constant 128 : i32
      %mul3A_17 = arith.muli %while3A_13, %mul3A_16 : i32
      %add3A_18 = arith.addi %mul3A_15, %mul3A_17 : i32
      "tpu.region"() ({
        %run_scoped3A = tpu.sem_alloc : memref<!tpu.dma_semaphore, #tpu.memory_space<semaphore_mem>>
        %dma_start3A_23 = tpu.memref_slice %arg3[%add3A_18] : memref<323584xi32, #tpu.memory_space<hbm>> -> memref<128xi32, #tpu.memory_space<hbm>>
        %dma_start3A_24 = tpu.memref_slice %arg3[%add3A_18] : memref<323584xi32, #tpu.memory_space<hbm>> -> memref<128xi32, #tpu.memory_space<hbm>>
        tpu.enqueue_dma source(%dma_start3A_24 : memref<128xi32, #tpu.memory_space<hbm>>) target(%arg7 : memref<128xi32, #tpu.memory_space<vmem>>) target_semaphore(%run_scoped3A : memref<!tpu.dma_semaphore, #tpu.memory_space<semaphore_mem>>)
        %dma_wait3A_25 = tpu.memref_slice %arg3[%add3A_18] : memref<323584xi32, #tpu.memory_space<hbm>> -> memref<128xi32, #tpu.memory_space<hbm>>
        %dma_wait3A_26 = tpu.memref_slice %arg3[%add3A_18] : memref<323584xi32, #tpu.memory_space<hbm>> -> memref<128xi32, #tpu.memory_space<hbm>>
        tpu.wait_dma2 semaphore(%run_scoped3A : memref<!tpu.dma_semaphore, #tpu.memory_space<semaphore_mem>>) src(%dma_wait3A_26 : memref<128xi32, #tpu.memory_space<hbm>>) dst(%arg7 : memref<128xi32, #tpu.memory_space<vmem>>)
        tpu.yield
      }) : () -> ()
      "tpu.region"() ({
        %run_scoped3A = tpu.sem_alloc : memref<!tpu.dma_semaphore, #tpu.memory_space<semaphore_mem>>
        %dma_start3A_23 = tpu.memref_slice %arg4[%add3A_18] : memref<323584xi32, #tpu.memory_space<hbm>> -> memref<128xi32, #tpu.memory_space<hbm>>
        %dma_start3A_24 = tpu.memref_slice %arg4[%add3A_18] : memref<323584xi32, #tpu.memory_space<hbm>> -> memref<128xi32, #tpu.memory_space<hbm>>
        tpu.enqueue_dma source(%dma_start3A_24 : memref<128xi32, #tpu.memory_space<hbm>>) target(%arg8 : memref<128xi32, #tpu.memory_space<vmem>>) target_semaphore(%run_scoped3A : memref<!tpu.dma_semaphore, #tpu.memory_space<semaphore_mem>>)
        %dma_wait3A_25 = tpu.memref_slice %arg4[%add3A_18] : memref<323584xi32, #tpu.memory_space<hbm>> -> memref<128xi32, #tpu.memory_space<hbm>>
        %dma_wait3A_26 = tpu.memref_slice %arg4[%add3A_18] : memref<323584xi32, #tpu.memory_space<hbm>> -> memref<128xi32, #tpu.memory_space<hbm>>
        tpu.wait_dma2 semaphore(%run_scoped3A : memref<!tpu.dma_semaphore, #tpu.memory_space<semaphore_mem>>) src(%dma_wait3A_26 : memref<128xi32, #tpu.memory_space<hbm>>) dst(%arg8 : memref<128xi32, #tpu.memory_space<vmem>>)
        tpu.yield
      }) : () -> ()
      %dma_start3A = arith.constant 0 : i32
      %dma_start3A_19 = arith.constant 0 : i32
      %dma_start3A_20 = tpu.memref_slice %arg2[%dma_start3A, %dma_start3A_19] : memref<10000x128xf32, #tpu.memory_space<hbm>> -> memref<10000x128xf32, #tpu.memory_space<hbm>>
      tpu.enqueue_indirect_dma source(%dma_start3A_20 : memref<10000x128xf32, #tpu.memory_space<hbm>>) target(%arg9 : memref<128x128xf32, #tpu.memory_space<vmem>>) offsets(%arg7 : memref<128xi32, #tpu.memory_space<vmem>>) semaphore(%arg11 : memref<!tpu.dma_semaphore, #tpu.memory_space<semaphore_mem>>)
      %dma_wait3A = arith.constant 0 : i32
      %dma_wait3A_21 = arith.constant 0 : i32
      %dma_wait3A_22 = tpu.memref_slice %arg2[%dma_wait3A, %dma_wait3A_21] : memref<10000x128xf32, #tpu.memory_space<hbm>> -> memref<10000x128xf32, #tpu.memory_space<hbm>>
      tpu.wait_indirect_dma semaphore(%arg11 : memref<!tpu.dma_semaphore, #tpu.memory_space<semaphore_mem>>) src(%dma_wait3A_22 : memref<10000x128xf32, #tpu.memory_space<hbm>>) dst(%arg9 : memref<128x128xf32, #tpu.memory_space<vmem>>)
      "tpu.region"() ({
        %run_scoped3A = tpu.sem_alloc : memref<!tpu.dma_semaphore, #tpu.memory_space<semaphore_mem>>
        %dma_start3A_23 = arith.constant 0 : i32
        %dma_start3A_24 = arith.constant 0 : i32
        %dma_start3A_25 = tpu.memref_slice %arg10[%dma_start3A_23, %dma_start3A_24] : memref<10240x128xf32, #tpu.memory_space<vmem_shared>> -> memref<10240x128xf32, #tpu.memory_space<vmem_shared>>
        tpu.enqueue_indirect_dma source(%arg9 : memref<128x128xf32, #tpu.memory_space<vmem>>) target(%dma_start3A_25 : memref<10240x128xf32, #tpu.memory_space<vmem_shared>>) offsets(%arg8 : memref<128xi32, #tpu.memory_space<vmem>>) semaphore(%run_scoped3A : memref<!tpu.dma_semaphore, #tpu.memory_space<semaphore_mem>>) {add = true}
        %dma_wait3A_26 = arith.constant 0 : i32
        %dma_wait3A_27 = arith.constant 0 : i32
        %dma_wait3A_28 = tpu.memref_slice %arg10[%dma_wait3A_26, %dma_wait3A_27] : memref<10240x128xf32, #tpu.memory_space<vmem_shared>> -> memref<10240x128xf32, #tpu.memory_space<vmem_shared>>
        tpu.wait_indirect_dma semaphore(%run_scoped3A : memref<!tpu.dma_semaphore, #tpu.memory_space<semaphore_mem>>) src(%arg9 : memref<128x128xf32, #tpu.memory_space<vmem>>) dst(%dma_wait3A_28 : memref<10240x128xf32, #tpu.memory_space<vmem_shared>>)
        tpu.yield
      }) : () -> ()
    }
    %while3A_11 = arith.constant 1 : i32
    scf.for %while3A_13 = %while3A_9 to %while3A_5 step %while3A_11  : i32 {
      %mul3A_14 = arith.constant 10112 : i32
      %mul3A_15 = arith.muli %add3A, %mul3A_14 : i32
      %mul3A_16 = arith.constant 128 : i32
      %mul3A_17 = arith.muli %while3A_13, %mul3A_16 : i32
      %add3A_18 = arith.addi %mul3A_15, %mul3A_17 : i32
      "tpu.region"() ({
        %run_scoped3A = tpu.sem_alloc : memref<!tpu.dma_semaphore, #tpu.memory_space<semaphore_mem>>
        %dma_start3A_23 = tpu.memref_slice %arg3[%add3A_18] : memref<323584xi32, #tpu.memory_space<hbm>> -> memref<128xi32, #tpu.memory_space<hbm>>
        %dma_start3A_24 = tpu.memref_slice %arg3[%add3A_18] : memref<323584xi32, #tpu.memory_space<hbm>> -> memref<128xi32, #tpu.memory_space<hbm>>
        tpu.enqueue_dma source(%dma_start3A_24 : memref<128xi32, #tpu.memory_space<hbm>>) target(%arg7 : memref<128xi32, #tpu.memory_space<vmem>>) target_semaphore(%run_scoped3A : memref<!tpu.dma_semaphore, #tpu.memory_space<semaphore_mem>>)
        %dma_wait3A_25 = tpu.memref_slice %arg3[%add3A_18] : memref<323584xi32, #tpu.memory_space<hbm>> -> memref<128xi32, #tpu.memory_space<hbm>>
        %dma_wait3A_26 = tpu.memref_slice %arg3[%add3A_18] : memref<323584xi32, #tpu.memory_space<hbm>> -> memref<128xi32, #tpu.memory_space<hbm>>
        tpu.wait_dma2 semaphore(%run_scoped3A : memref<!tpu.dma_semaphore, #tpu.memory_space<semaphore_mem>>) src(%dma_wait3A_26 : memref<128xi32, #tpu.memory_space<hbm>>) dst(%arg7 : memref<128xi32, #tpu.memory_space<vmem>>)
        tpu.yield
      }) : () -> ()
      "tpu.region"() ({
        %run_scoped3A = tpu.sem_alloc : memref<!tpu.dma_semaphore, #tpu.memory_space<semaphore_mem>>
        %dma_start3A_23 = tpu.memref_slice %arg4[%add3A_18] : memref<323584xi32, #tpu.memory_space<hbm>> -> memref<128xi32, #tpu.memory_space<hbm>>
        %dma_start3A_24 = tpu.memref_slice %arg4[%add3A_18] : memref<323584xi32, #tpu.memory_space<hbm>> -> memref<128xi32, #tpu.memory_space<hbm>>
        tpu.enqueue_dma source(%dma_start3A_24 : memref<128xi32, #tpu.memory_space<hbm>>) target(%arg8 : memref<128xi32, #tpu.memory_space<vmem>>) target_semaphore(%run_scoped3A : memref<!tpu.dma_semaphore, #tpu.memory_space<semaphore_mem>>)
        %dma_wait3A_25 = tpu.memref_slice %arg4[%add3A_18] : memref<323584xi32, #tpu.memory_space<hbm>> -> memref<128xi32, #tpu.memory_space<hbm>>
        %dma_wait3A_26 = tpu.memref_slice %arg4[%add3A_18] : memref<323584xi32, #tpu.memory_space<hbm>> -> memref<128xi32, #tpu.memory_space<hbm>>
        tpu.wait_dma2 semaphore(%run_scoped3A : memref<!tpu.dma_semaphore, #tpu.memory_space<semaphore_mem>>) src(%dma_wait3A_26 : memref<128xi32, #tpu.memory_space<hbm>>) dst(%arg8 : memref<128xi32, #tpu.memory_space<vmem>>)
        tpu.yield
      }) : () -> ()
      %dma_start3A = arith.constant 0 : i32
      %dma_start3A_19 = arith.constant 0 : i32
      %dma_start3A_20 = tpu.memref_slice %arg2[%dma_start3A, %dma_start3A_19] : memref<10000x128xf32, #tpu.memory_space<hbm>> -> memref<10000x128xf32, #tpu.memory_space<hbm>>
      tpu.enqueue_indirect_dma source(%dma_start3A_20 : memref<10000x128xf32, #tpu.memory_space<hbm>>) target(%arg9 : memref<128x128xf32, #tpu.memory_space<vmem>>) offsets(%arg7 : memref<128xi32, #tpu.memory_space<vmem>>) semaphore(%arg11 : memref<!tpu.dma_semaphore, #tpu.memory_space<semaphore_mem>>)
      %dma_wait3A = arith.constant 0 : i32
      %dma_wait3A_21 = arith.constant 0 : i32
      %dma_wait3A_22 = tpu.memref_slice %arg2[%dma_wait3A, %dma_wait3A_21] : memref<10000x128xf32, #tpu.memory_space<hbm>> -> memref<10000x128xf32, #tpu.memory_space<hbm>>
      tpu.wait_indirect_dma semaphore(%arg11 : memref<!tpu.dma_semaphore, #tpu.memory_space<semaphore_mem>>) src(%dma_wait3A_22 : memref<10000x128xf32, #tpu.memory_space<hbm>>) dst(%arg9 : memref<128x128xf32, #tpu.memory_space<vmem>>)
      "tpu.region"() ({
        %run_scoped3A = tpu.sem_alloc : memref<!tpu.dma_semaphore, #tpu.memory_space<semaphore_mem>>
        %dma_start3A_23 = arith.constant 0 : i32
        %dma_start3A_24 = arith.constant 0 : i32
        %dma_start3A_25 = tpu.memref_slice %arg10[%dma_start3A_23, %dma_start3A_24] : memref<10240x128xf32, #tpu.memory_space<vmem_shared>> -> memref<10240x128xf32, #tpu.memory_space<vmem_shared>>
        tpu.enqueue_indirect_dma source(%arg9 : memref<128x128xf32, #tpu.memory_space<vmem>>) target(%dma_start3A_25 : memref<10240x128xf32, #tpu.memory_space<vmem_shared>>) offsets(%arg8 : memref<128xi32, #tpu.memory_space<vmem>>) semaphore(%run_scoped3A : memref<!tpu.dma_semaphore, #tpu.memory_space<semaphore_mem>>) {add = true}
        %dma_wait3A_26 = arith.constant 0 : i32
        %dma_wait3A_27 = arith.constant 0 : i32
        %dma_wait3A_28 = tpu.memref_slice %arg10[%dma_wait3A_26, %dma_wait3A_27] : memref<10240x128xf32, #tpu.memory_space<vmem_shared>> -> memref<10240x128xf32, #tpu.memory_space<vmem_shared>>
        tpu.wait_indirect_dma semaphore(%run_scoped3A : memref<!tpu.dma_semaphore, #tpu.memory_space<semaphore_mem>>) src(%arg9 : memref<128x128xf32, #tpu.memory_space<vmem>>) dst(%dma_wait3A_28 : memref<10240x128xf32, #tpu.memory_space<vmem_shared>>)
        tpu.yield
      }) : () -> ()
    }
    %barrier3A_12 = arith.constant 0 : index
    tpu.barrier barrier_id(%barrier3A_12)
    "tpu.region"() ({
      %run_scoped3A = tpu.sem_alloc : memref<!tpu.dma_semaphore, #tpu.memory_space<semaphore_mem>>
      %dma_start3A = arith.constant 0 : i32
      %dma_start3A_13 = tpu.memref_slice %arg6[%arg0, %mul3A_2, %dma_start3A] : memref<2x10240x128xf32, #tpu.memory_space<hbm>> -> memref<1x640x128xf32, #tpu.memory_space<hbm>>
      %dma_start3A_14 = tpu.memref_squeeze %dma_start3A_13 : memref<1x640x128xf32, #tpu.memory_space<hbm>> -> memref<640x128xf32, #tpu.memory_space<hbm>>
      %dma_start3A_15 = arith.constant 0 : i32
      %dma_start3A_16 = tpu.memref_slice %arg10[%mul3A_2, %dma_start3A_15] : memref<10240x128xf32, #tpu.memory_space<vmem_shared>> -> memref<640x128xf32, #tpu.memory_space<vmem_shared>>
      tpu.enqueue_dma source(%dma_start3A_16 : memref<640x128xf32, #tpu.memory_space<vmem_shared>>) target(%dma_start3A_14 : memref<640x128xf32, #tpu.memory_space<hbm>>) target_semaphore(%run_scoped3A : memref<!tpu.dma_semaphore, #tpu.memory_space<semaphore_mem>>)
      %dma_wait3A = arith.constant 0 : i32
      %dma_wait3A_17 = tpu.memref_slice %arg6[%arg0, %mul3A_2, %dma_wait3A] : memref<2x10240x128xf32, #tpu.memory_space<hbm>> -> memref<1x640x128xf32, #tpu.memory_space<hbm>>
      %dma_wait3A_18 = tpu.memref_squeeze %dma_wait3A_17 : memref<1x640x128xf32, #tpu.memory_space<hbm>> -> memref<640x128xf32, #tpu.memory_space<hbm>>
      %dma_wait3A_19 = arith.constant 0 : i32
      %dma_wait3A_20 = tpu.memref_slice %arg10[%mul3A_2, %dma_wait3A_19] : memref<10240x128xf32, #tpu.memory_space<vmem_shared>> -> memref<640x128xf32, #tpu.memory_space<vmem_shared>>
      tpu.wait_dma2 semaphore(%run_scoped3A : memref<!tpu.dma_semaphore, #tpu.memory_space<semaphore_mem>>) src(%dma_wait3A_20 : memref<640x128xf32, #tpu.memory_space<vmem_shared>>) dst(%dma_wait3A_18 : memref<640x128xf32, #tpu.memory_space<hbm>>)
      tpu.yield
    }) : () -> ()
    return
  }
}

module attributes {stable_mosaic.version = 14 : i64} {
  func.func @_k2_body(%arg0: i32, %arg1: i32, %arg2: memref<1000x128xf32, #tpu.memory_space<vmem>>, %arg3: memref<1000x128xf32, #tpu.memory_space<vmem>>, %arg4: memref<128x2048xf32, #tpu.memory_space<vmem>>, %arg5: memref<128x2048xf32, #tpu.memory_space<vmem>>, %arg6: memref<1x2048xf32, #tpu.memory_space<vmem>>, %arg7: memref<2048x640xf32, #tpu.memory_space<vmem>>, %arg8: memref<1x640xf32, #tpu.memory_space<vmem>>, %arg9: memref<1000x640xf32, #tpu.memory_space<vmem>>, %arg10: memref<1000x1xf32, #tpu.memory_space<vmem>>, %arg11: memref<1000x2048xf32, #tpu.memory_space<vmem>>) attributes {dimension_semantics = [#tpu.dimension_semantics<arbitrary>, #tpu.dimension_semantics<arbitrary>], iteration_bounds = array<i64: 10, 16>, scalar_prefetch = 0 : i64, scratch_operands = 1 : i64, tpu.core_type = #tpu.core_type<tc>, window_params = [{transform_indices = @transform_0, window_bounds = array<i64: 1000, 128>}, {transform_indices = @transform_1, window_bounds = array<i64: 1000, 128>}, {pipeline_mode = #tpu.pipeline_mode<synchronous>, transform_indices = @transform_2, window_bounds = array<i64: 128, 2048>}, {pipeline_mode = #tpu.pipeline_mode<synchronous>, transform_indices = @transform_3, window_bounds = array<i64: 128, 2048>}, {pipeline_mode = #tpu.pipeline_mode<synchronous>, transform_indices = @transform_4, window_bounds = array<i64: 1, 2048>}, {transform_indices = @transform_5, window_bounds = array<i64: 2048, 640>}, {transform_indices = @transform_6, window_bounds = array<i64: 1, 640>}, {transform_indices = @transform_7, window_bounds = array<i64: 1000, 640>}, {transform_indices = @transform_8, window_bounds = array<i64: 1000, 1>}]} {
    %eq3A = arith.constant 0 : i32
    %eq3A_0 = arith.cmpi eq, %arg1, %eq3A : i32
    %convert_element_type3A = arith.extui %eq3A_0 : i1 to i32
    %cond3A = arith.constant 0 : i32
    %cond3A_1 = arith.cmpi ne, %convert_element_type3A, %cond3A : i32
    scf.if %cond3A_1 {
      %get3A_31 = arith.constant 0 : index
      %get3A_32 = arith.constant 0 : index
      %get3A_33 = vector.load %arg2[%get3A_31, %get3A_32] : memref<1000x128xf32, #tpu.memory_space<vmem>>, vector<1000x128xf32>
      %get3A_34 = arith.constant 0 : index
      %get3A_35 = arith.constant 0 : index
      %get3A_36 = vector.load %arg4[%get3A_34, %get3A_35] : memref<128x2048xf32, #tpu.memory_space<vmem>>, vector<128x2048xf32>
      %dot_general3A_37 = arith.constant dense<0.000000e+00> : vector<1000x2048xf32>
      %dot_general3A_38 = tpu.matmul %get3A_33, %get3A_36, %dot_general3A_37 {dimension_numbers = #tpu.dot_dimension_numbers<[1], [0], [0], [1], [0, 0, 1, 1], [], []>, transpose_lhs_hint = false} : vector<1000x128xf32>, vector<128x2048xf32>, vector<1000x2048xf32> -> vector<1000x2048xf32>
      %get3A_39 = arith.constant 0 : index
      %get3A_40 = arith.constant 0 : index
      %get3A_41 = vector.load %arg3[%get3A_39, %get3A_40] : memref<1000x128xf32, #tpu.memory_space<vmem>>, vector<1000x128xf32>
      %get3A_42 = arith.constant 0 : index
      %get3A_43 = arith.constant 0 : index
      %get3A_44 = vector.load %arg5[%get3A_42, %get3A_43] : memref<128x2048xf32, #tpu.memory_space<vmem>>, vector<128x2048xf32>
      %dot_general3A_45 = arith.constant dense<0.000000e+00> : vector<1000x2048xf32>
      %dot_general3A_46 = tpu.matmul %get3A_41, %get3A_44, %dot_general3A_45 {dimension_numbers = #tpu.dot_dimension_numbers<[1], [0], [0], [1], [0, 0, 1, 1], [], []>, transpose_lhs_hint = false} : vector<1000x128xf32>, vector<128x2048xf32>, vector<1000x2048xf32> -> vector<1000x2048xf32>
      %add3A_47 = arith.addf %dot_general3A_38, %dot_general3A_46 : vector<1000x2048xf32>
      %get3A_48 = arith.constant 0 : index
      %get3A_49 = arith.constant 0 : index
      %get3A_50 = vector.load %arg6[%get3A_48, %get3A_49] : memref<1x2048xf32, #tpu.memory_space<vmem>>, vector<1x2048xf32>
      %add3A_51 = vector.broadcast %get3A_50 : vector<1x2048xf32> to vector<1000x2048xf32>
      %add3A_52 = arith.addf %add3A_47, %add3A_51 : vector<1000x2048xf32>
      %max3A_53 = arith.constant 0.000000e+00 : f32
      %max3A_54 = vector.broadcast %max3A_53 : f32 to vector<1000x2048xf32>
      %max3A_55 = arith.maximumf %add3A_52, %max3A_54 : vector<1000x2048xf32>
      %swap3A_56 = arith.constant 0 : index
      %swap3A_57 = arith.constant 0 : index
      %swap3A_58 = vector.load %arg11[%swap3A_56, %swap3A_57] : memref<1000x2048xf32, #tpu.memory_space<vmem>>, vector<1000x2048xf32>
      tpu.vector_store %arg11[%swap3A_56, %swap3A_57], %max3A_55 {strides = array<i32>} : memref<1000x2048xf32, #tpu.memory_space<vmem>>, vector<1000x2048xf32>,
    } else {
    }
    %get3A = arith.constant 0 : index
    %get3A_2 = arith.constant 0 : index
    %get3A_3 = vector.load %arg11[%get3A, %get3A_2] : memref<1000x2048xf32, #tpu.memory_space<vmem>>, vector<1000x2048xf32>
    %get3A_4 = arith.constant 0 : index
    %get3A_5 = arith.constant 0 : index
    %get3A_6 = vector.load %arg7[%get3A_4, %get3A_5] : memref<2048x640xf32, #tpu.memory_space<vmem>>, vector<2048x640xf32>
    %dot_general3A = arith.constant dense<0.000000e+00> : vector<1000x640xf32>
    %dot_general3A_7 = tpu.matmul %get3A_3, %get3A_6, %dot_general3A {dimension_numbers = #tpu.dot_dimension_numbers<[1], [0], [0], [1], [0, 0, 1, 1], [], []>, transpose_lhs_hint = false} : vector<1000x2048xf32>, vector<2048x640xf32>, vector<1000x640xf32> -> vector<1000x640xf32>
    %get3A_8 = arith.constant 0 : index
    %get3A_9 = arith.constant 0 : index
    %get3A_10 = vector.load %arg8[%get3A_8, %get3A_9] : memref<1x640xf32, #tpu.memory_space<vmem>>, vector<1x640xf32>
    %add3A = vector.broadcast %get3A_10 : vector<1x640xf32> to vector<1000x640xf32>
    %add3A_11 = arith.addf %dot_general3A_7, %add3A : vector<1000x640xf32>
    %max3A = arith.constant 0.000000e+00 : f32
    %max3A_12 = vector.broadcast %max3A : f32 to vector<1000x640xf32>
    %max3A_13 = arith.maximumf %add3A_11, %max3A_12 : vector<1000x640xf32>
    %swap3A = arith.constant 0 : index
    %swap3A_14 = arith.constant 0 : index
    %swap3A_15 = vector.load %arg9[%swap3A, %swap3A_14] : memref<1000x640xf32, #tpu.memory_space<vmem>>, vector<1000x640xf32>
    tpu.vector_store %arg9[%swap3A, %swap3A_14], %max3A_13 {strides = array<i32>} : memref<1000x640xf32, #tpu.memory_space<vmem>>, vector<1000x640xf32>,
    %reduce_sum3A = arith.constant dense<0.000000e+00> : vector<1000xf32>
    %reduce_sum3A_16 = vector.multi_reduction <add>, %max3A_13, %reduce_sum3A [1] : vector<1000x640xf32> to vector<1000xf32>
    %broadcast_in_dim3A = vector.shape_cast %reduce_sum3A_16 : vector<1000xf32> to vector<1000x1xf32>
    %eq3A_17 = arith.constant 0 : i32
    %eq3A_18 = arith.cmpi eq, %arg1, %eq3A_17 : i32
    %convert_element_type3A_19 = arith.extui %eq3A_18 : i1 to i32
    %cond3A_20 = arith.constant 0 : i32
    %cond3A_21 = arith.cmpi ne, %convert_element_type3A_19, %cond3A_20 : i32
    scf.if %cond3A_21 {
      %add3A_31 = arith.constant 1.000000e+00 : f32
      %add3A_32 = vector.broadcast %add3A_31 : f32 to vector<1000x1xf32>
      %add3A_33 = arith.addf %broadcast_in_dim3A, %add3A_32 : vector<1000x1xf32>
      %swap3A_34 = arith.constant 0 : index
      %swap3A_35 = arith.constant 0 : index
      %swap3A_36 = vector.load %arg10[%swap3A_34, %swap3A_35] : memref<1000x1xf32, #tpu.memory_space<vmem>>, vector<1000x1xf32>
      tpu.vector_store %arg10[%swap3A_34, %swap3A_35], %add3A_33 {strides = array<i32>} : memref<1000x1xf32, #tpu.memory_space<vmem>>, vector<1000x1xf32>,
    } else {
    }
    %gt3A = arith.constant 0 : i32
    %gt3A_22 = arith.cmpi sgt, %arg1, %gt3A : i32
    %convert_element_type3A_23 = arith.extui %gt3A_22 : i1 to i32
    %cond3A_24 = arith.constant 0 : i32
    %cond3A_25 = arith.cmpi ne, %convert_element_type3A_23, %cond3A_24 : i32
    scf.if %cond3A_25 {
      %get3A_31 = arith.constant 0 : index
      %get3A_32 = arith.constant 0 : index
      %get3A_33 = vector.load %arg10[%get3A_31, %get3A_32] : memref<1000x1xf32, #tpu.memory_space<vmem>>, vector<1000x1xf32>
      %add3A_34 = arith.addf %get3A_33, %broadcast_in_dim3A : vector<1000x1xf32>
      %swap3A_35 = arith.constant 0 : index
      %swap3A_36 = arith.constant 0 : index
      %swap3A_37 = vector.load %arg10[%swap3A_35, %swap3A_36] : memref<1000x1xf32, #tpu.memory_space<vmem>>, vector<1000x1xf32>
      tpu.vector_store %arg10[%swap3A_35, %swap3A_36], %add3A_34 {strides = array<i32>} : memref<1000x1xf32, #tpu.memory_space<vmem>>, vector<1000x1xf32>,
    } else {
    }
    %eq3A_26 = arith.constant 15 : i32
    %eq3A_27 = arith.cmpi eq, %arg1, %eq3A_26 : i32
    %convert_element_type3A_28 = arith.extui %eq3A_27 : i1 to i32
    %cond3A_29 = arith.constant 0 : i32
    %cond3A_30 = arith.cmpi ne, %convert_element_type3A_28, %cond3A_29 : i32
    scf.if %cond3A_30 {
      %get3A_31 = arith.constant 0 : index
      %get3A_32 = arith.constant 0 : index
      %get3A_33 = vector.load %arg10[%get3A_31, %get3A_32] : memref<1000x1xf32, #tpu.memory_space<vmem>>, vector<1000x1xf32>
      %rsqrt3A = math.rsqrt %get3A_33 : vector<1000x1xf32>
      %swap3A_34 = arith.constant 0 : index
      %swap3A_35 = arith.constant 0 : index
      %swap3A_36 = vector.load %arg10[%swap3A_34, %swap3A_35] : memref<1000x1xf32, #tpu.memory_space<vmem>>, vector<1000x1xf32>
      tpu.vector_store %arg10[%swap3A_34, %swap3A_35], %rsqrt3A {strides = array<i32>} : memref<1000x1xf32, #tpu.memory_space<vmem>>, vector<1000x1xf32>,
    } else {
    }
    return
  }
  func.func @transform_0(%arg0: i32, %arg1: i32) -> (i32, i32) {
    %c0_i32 = arith.constant 0 : i32
    %c0_i32_0 = arith.constant 0 : i32
    return %arg0, %c0_i32 : i32, i32
  }
  func.func @transform_1(%arg0: i32, %arg1: i32) -> (i32, i32) {
    %c0_i32 = arith.constant 0 : i32
    %c0_i32_0 = arith.constant 0 : i32
    return %arg0, %c0_i32 : i32, i32
  }
  func.func @transform_2(%arg0: i32, %arg1: i32) -> (i32, i32) {
    %c0_i32 = arith.constant 0 : i32
    %c0_i32_0 = arith.constant 0 : i32
    %c0_i32_1 = arith.constant 0 : i32
    return %c0_i32, %c0_i32_0 : i32, i32
  }
  func.func @transform_3(%arg0: i32, %arg1: i32) -> (i32, i32) {
    %c0_i32 = arith.constant 0 : i32
    %c0_i32_0 = arith.constant 0 : i32
    %c0_i32_1 = arith.constant 0 : i32
    return %c0_i32, %c0_i32_0 : i32, i32
  }
  func.func @transform_4(%arg0: i32, %arg1: i32) -> (i32, i32) {
    %c0_i32 = arith.constant 0 : i32
    %c0_i32_0 = arith.constant 0 : i32
    %c0_i32_1 = arith.constant 0 : i32
    return %c0_i32, %c0_i32_0 : i32, i32
  }
  func.func @transform_5(%arg0: i32, %arg1: i32) -> (i32, i32) {
    %c0_i32 = arith.constant 0 : i32
    %c0_i32_0 = arith.constant 0 : i32
    return %c0_i32, %arg1 : i32, i32
  }
  func.func @transform_6(%arg0: i32, %arg1: i32) -> (i32, i32) {
    %c0_i32 = arith.constant 0 : i32
    %c0_i32_0 = arith.constant 0 : i32
    return %c0_i32, %arg1 : i32, i32
  }
  func.func @transform_7(%arg0: i32, %arg1: i32) -> (i32, i32) {
    %c0_i32 = arith.constant 0 : i32
    return %arg0, %arg1 : i32, i32
  }
  func.func @transform_8(%arg0: i32, %arg1: i32) -> (i32, i32) {
    %c0_i32 = arith.constant 0 : i32
    %c0_i32_0 = arith.constant 0 : i32
    return %arg0, %c0_i32 : i32, i32
  }
}

module attributes {stable_mosaic.version = 14 : i64} {
  func.func @_k3_body(%arg0: i32, %arg1: memref<10000x128xf32, #tpu.memory_space<vmem>>, %arg2: memref<10000x1xf32, #tpu.memory_space<vmem>>, %arg3: memref<1x128xf32, #tpu.memory_space<vmem>>, %arg4: memref<128x128xf32, #tpu.memory_space<vmem>>, %arg5: memref<10000x128xf32, #tpu.memory_space<vmem>>, %arg6: memref<10000x128xf32, #tpu.memory_space<vmem>>) attributes {dimension_semantics = [#tpu.dimension_semantics<arbitrary>], iteration_bounds = array<i64: 80>, scalar_prefetch = 0 : i64, scratch_operands = 1 : i64, tpu.core_type = #tpu.core_type<tc>, window_params = [{transform_indices = @transform_0, window_bounds = array<i64: 10000, 128>}, {pipeline_mode = #tpu.pipeline_mode<synchronous>, transform_indices = @transform_1, window_bounds = array<i64: 10000, 1>}, {transform_indices = @transform_2, window_bounds = array<i64: 1, 128>}, {transform_indices = @transform_3, window_bounds = array<i64: 128, 128>}, {pipeline_mode = #tpu.pipeline_mode<synchronous>, transform_indices = @transform_4, window_bounds = array<i64: 10000, 128>}]} {
    %get3A = arith.constant 0 : index
    %get3A_0 = arith.constant 0 : index
    %get3A_1 = vector.load %arg2[%get3A, %get3A_0] : memref<10000x1xf32, #tpu.memory_space<vmem>>, vector<10000x1xf32>
    %mul3A = arith.constant 4.750000e-02 : f32
    %mul3A_2 = vector.broadcast %mul3A : f32 to vector<10000x1xf32>
    %mul3A_3 = arith.mulf %mul3A_2, %get3A_1 : vector<10000x1xf32>
    %get3A_4 = arith.constant 0 : index
    %get3A_5 = arith.constant 0 : index
    %get3A_6 = vector.load %arg1[%get3A_4, %get3A_5] : memref<10000x128xf32, #tpu.memory_space<vmem>>, vector<10000x128xf32>
    %mul3A_7 = vector.broadcast %mul3A_3 : vector<10000x1xf32> to vector<10000x128xf32>
    %mul3A_8 = arith.mulf %mul3A_7, %get3A_6 : vector<10000x128xf32>
    %get3A_9 = arith.constant 0 : index
    %get3A_10 = arith.constant 0 : index
    %get3A_11 = vector.load %arg3[%get3A_9, %get3A_10] : memref<1x128xf32, #tpu.memory_space<vmem>>, vector<1x128xf32>
    %mul3A_12 = vector.broadcast %get3A_11 : vector<1x128xf32> to vector<10000x128xf32>
    %mul3A_13 = arith.mulf %mul3A_8, %mul3A_12 : vector<10000x128xf32>
    %iota3A = tpu.iota {dimensions = array<i32: 0>} : vector<10000x128xi32>
    %mul3A_14 = arith.constant 128 : i32
    %mul3A_15 = arith.muli %arg0, %mul3A_14 : i32
    %iota3A_16 = tpu.iota {dimensions = array<i32: 1>} : vector<10000x128xi32>
    %add3A = vector.broadcast %mul3A_15 : i32 to vector<10000x128xi32>
    %add3A_17 = arith.addi %add3A, %iota3A_16 : vector<10000x128xi32>
    %eq3A = arith.cmpi eq, %iota3A, %add3A_17 : vector<10000x128xi32>
    %mul3A_18 = arith.constant 4.750000e-02 : f32
    %mul3A_19 = vector.broadcast %mul3A_18 : f32 to vector<10000x1xf32>
    %mul3A_20 = arith.mulf %mul3A_19, %get3A_1 : vector<10000x1xf32>
    %mul3A_21 = arith.mulf %mul3A_20, %get3A_1 : vector<10000x1xf32>
    %add3A_22 = arith.constant 5.000000e-02 : f32
    %add3A_23 = vector.broadcast %add3A_22 : f32 to vector<10000x1xf32>
    %add3A_24 = arith.addf %mul3A_21, %add3A_23 : vector<10000x1xf32>
    %add3A_25 = vector.broadcast %add3A_24 : vector<10000x1xf32> to vector<10000x128xf32>
    %add3A_26 = arith.addf %mul3A_13, %add3A_25 : vector<10000x128xf32>
    %select_n3A = arith.select %eq3A, %add3A_26, %mul3A_13 : vector<10000x128xi1>, vector<10000x128xf32>
    %swap3A = arith.constant 0 : index
    %swap3A_27 = arith.constant 0 : index
    %swap3A_28 = vector.load %arg6[%swap3A, %swap3A_27] : memref<10000x128xf32, #tpu.memory_space<vmem>>, vector<10000x128xf32>
    tpu.vector_store %arg6[%swap3A, %swap3A_27], %select_n3A {strides = array<i32>} : memref<10000x128xf32, #tpu.memory_space<vmem>>, vector<10000x128xf32>,
    %broadcast_in_dim3A = arith.constant 0 : i32
    %broadcast_in_dim3A_29 = vector.broadcast %broadcast_in_dim3A : i32 to vector<1x128xi32>
    %broadcast_in_dim3A_30 = arith.constant 2139095039 : i32
    %broadcast_in_dim3A_31 = vector.broadcast %broadcast_in_dim3A_30 : i32 to vector<1x128xi32>
    %while3A = arith.constant 0 : i32
    %while3A_32 = arith.constant 16 : i32
    %while3A_33 = arith.subi %while3A_32, %while3A : i32
    %while3A_34 = arith.addi %while3A, %while3A_33 : i32
    %while3A_35 = arith.constant 1 : i32
    %while3A_36 = arith.divsi %while3A_33, %while3A_35 : i32
    %while3A_37 = arith.muli %while3A_36, %while3A_35 : i32
    %while3A_38 = arith.addi %while3A, %while3A_37 : i32
    %while3A_39 = arith.constant 1 : i32
    %while3A_40:2 = scf.for %while3A_74 = %while3A to %while3A_38 step %while3A_39 iter_args(%while3A_75 = %broadcast_in_dim3A_29, %while3A_76 = %broadcast_in_dim3A_31) -> (vector<1x128xi32>, vector<1x128xi32>)  : i32 {
      %sub3A = arith.subi %while3A_76, %while3A_75 : vector<1x128xi32>
      %add3A_77 = arith.constant 3 : i32
      %add3A_78 = vector.broadcast %add3A_77 : i32 to vector<1x128xi32>
      %add3A_79 = arith.addi %sub3A, %add3A_78 : vector<1x128xi32>
      %jit3A_80 = arith.constant 4 : i64
      %convert_element_type3A_81 = arith.trunci %jit3A_80 : i64 to i32
      %div3A_82 = vector.broadcast %convert_element_type3A_81 : i32 to vector<1x128xi32>
      %div3A_83 = arith.divsi %add3A_79, %div3A_82 : vector<1x128xi32>
      %sign3A = arith.constant 0 : i32
      %sign3A_84 = vector.broadcast %sign3A : i32 to vector<1x128xi32>
      %sign3A_85 = arith.cmpi sgt, %add3A_79, %sign3A_84 : vector<1x128xi32>
      %sign3A_86 = arith.extui %sign3A_85 : vector<1x128xi1> to vector<1x128xi32>
      %sign3A_87 = arith.constant 0 : i32
      %sign3A_88 = vector.broadcast %sign3A_87 : i32 to vector<1x128xi32>
      %sign3A_89 = arith.cmpi slt, %add3A_79, %sign3A_88 : vector<1x128xi32>
      %sign3A_90 = arith.extui %sign3A_89 : vector<1x128xi1> to vector<1x128xi32>
      %sign3A_91 = arith.subi %sign3A_86, %sign3A_90 : vector<1x128xi32>
      %sign3A_92 = arith.constant 0 : i32
      %sign3A_93 = arith.cmpi sgt, %convert_element_type3A_81, %sign3A_92 : i32
      %sign3A_94 = arith.extui %sign3A_93 : i1 to i32
      %sign3A_95 = arith.constant 0 : i32
      %sign3A_96 = arith.cmpi slt, %convert_element_type3A_81, %sign3A_95 : i32
      %sign3A_97 = arith.extui %sign3A_96 : i1 to i32
      %sign3A_98 = arith.subi %sign3A_94, %sign3A_97 : i32
      %ne3A = vector.broadcast %sign3A_98 : i32 to vector<1x128xi32>
      %ne3A_99 = arith.cmpi ne, %sign3A_91, %ne3A : vector<1x128xi32>
      %rem3A = vector.broadcast %convert_element_type3A_81 : i32 to vector<1x128xi32>
      %rem3A_100 = arith.remsi %add3A_79, %rem3A : vector<1x128xi32>
      %ne3A_101 = arith.constant 0 : i32
      %ne3A_102 = vector.broadcast %ne3A_101 : i32 to vector<1x128xi32>
      %ne3A_103 = arith.cmpi ne, %rem3A_100, %ne3A_102 : vector<1x128xi32>
      %and3A = arith.andi %ne3A_99, %ne3A_103 : vector<1x128xi1>
      %sub3A_104 = arith.constant 1 : i32
      %sub3A_105 = vector.broadcast %sub3A_104 : i32 to vector<1x128xi32>
      %sub3A_106 = arith.subi %div3A_83, %sub3A_105 : vector<1x128xi32>
      %select_n3A_107 = arith.select %and3A, %sub3A_106, %div3A_83 : vector<1x128xi1>, vector<1x128xi32>
      %add3A_108 = arith.addi %while3A_75, %select_n3A_107 : vector<1x128xi32>
      %add3A_109 = arith.addi %add3A_108, %select_n3A_107 : vector<1x128xi32>
      %min3A = arith.minsi %add3A_109, %while3A_76 : vector<1x128xi32>
      %add3A_110 = arith.addi %min3A, %select_n3A_107 : vector<1x128xi32>
      %min3A_111 = arith.minsi %add3A_110, %while3A_76 : vector<1x128xi32>
      %bitcast_convert_type3A_112 = tpu.bitcast %add3A_108 : vector<1x128xi32> -> vector<1x128xf32>
      %bitcast_convert_type3A_113 = tpu.bitcast %min3A : vector<1x128xi32> -> vector<1x128xf32>
      %bitcast_convert_type3A_114 = tpu.bitcast %min3A_111 : vector<1x128xi32> -> vector<1x128xf32>
      %get3A_115 = arith.constant 0 : index
      %get3A_116 = arith.constant 0 : index
      %get3A_117 = vector.load %arg6[%get3A_115, %get3A_116] : memref<10000x128xf32, #tpu.memory_space<vmem>>, vector<10000x128xf32>
      %ge3A_118 = vector.broadcast %bitcast_convert_type3A_112 : vector<1x128xf32> to vector<10000x128xf32>
      %ge3A_119 = arith.cmpf oge, %get3A_117, %ge3A_118 : vector<10000x128xf32>
      %convert_element_type3A_120 = arith.extui %ge3A_119 : vector<10000x128xi1> to vector<10000x128xi32>
      %convert_element_type3A_121 = arith.sitofp %convert_element_type3A_120 : vector<10000x128xi32> to vector<10000x128xf32>
      %reduce_sum3A_122 = arith.constant dense<0.000000e+00> : vector<128xf32>
      %reduce_sum3A_123 = vector.multi_reduction <add>, %convert_element_type3A_121, %reduce_sum3A_122 [0] : vector<10000x128xf32> to vector<128xf32>
      %broadcast_in_dim3A_124 = vector.shape_cast %reduce_sum3A_123 : vector<128xf32> to vector<1x128xf32>
      %ge3A_125 = vector.broadcast %bitcast_convert_type3A_113 : vector<1x128xf32> to vector<10000x128xf32>
      %ge3A_126 = arith.cmpf oge, %get3A_117, %ge3A_125 : vector<10000x128xf32>
      %convert_element_type3A_127 = arith.extui %ge3A_126 : vector<10000x128xi1> to vector<10000x128xi32>
      %convert_element_type3A_128 = arith.sitofp %convert_element_type3A_127 : vector<10000x128xi32> to vector<10000x128xf32>
      %reduce_sum3A_129 = arith.constant dense<0.000000e+00> : vector<128xf32>
      %reduce_sum3A_130 = vector.multi_reduction <add>, %convert_element_type3A_128, %reduce_sum3A_129 [0] : vector<10000x128xf32> to vector<128xf32>
      %broadcast_in_dim3A_131 = vector.shape_cast %reduce_sum3A_130 : vector<128xf32> to vector<1x128xf32>
      %ge3A_132 = vector.broadcast %bitcast_convert_type3A_114 : vector<1x128xf32> to vector<10000x128xf32>
      %ge3A_133 = arith.cmpf oge, %get3A_117, %ge3A_132 : vector<10000x128xf32>
      %convert_element_type3A_134 = arith.extui %ge3A_133 : vector<10000x128xi1> to vector<10000x128xi32>
      %convert_element_type3A_135 = arith.sitofp %convert_element_type3A_134 : vector<10000x128xi32> to vector<10000x128xf32>
      %reduce_sum3A_136 = arith.constant dense<0.000000e+00> : vector<128xf32>
      %reduce_sum3A_137 = vector.multi_reduction <add>, %convert_element_type3A_135, %reduce_sum3A_136 [0] : vector<10000x128xf32> to vector<128xf32>
      %broadcast_in_dim3A_138 = vector.shape_cast %reduce_sum3A_137 : vector<128xf32> to vector<1x128xf32>
      %ge3A_139 = arith.constant 1.280000e+02 : f32
      %ge3A_140 = vector.broadcast %ge3A_139 : f32 to vector<1x128xf32>
      %ge3A_141 = arith.cmpf oge, %broadcast_in_dim3A_124, %ge3A_140 : vector<1x128xf32>
      %ge3A_142 = arith.constant 1.280000e+02 : f32
      %ge3A_143 = vector.broadcast %ge3A_142 : f32 to vector<1x128xf32>
      %ge3A_144 = arith.cmpf oge, %broadcast_in_dim3A_131, %ge3A_143 : vector<1x128xf32>
      %ge3A_145 = arith.constant 1.280000e+02 : f32
      %ge3A_146 = vector.broadcast %ge3A_145 : f32 to vector<1x128xf32>
      %ge3A_147 = arith.cmpf oge, %broadcast_in_dim3A_138, %ge3A_146 : vector<1x128xf32>
      %select_n3A_148 = arith.select %ge3A_141, %add3A_108, %while3A_75 : vector<1x128xi1>, vector<1x128xi32>
      %select_n3A_149 = arith.select %ge3A_144, %min3A, %select_n3A_148 : vector<1x128xi1>, vector<1x128xi32>
      %select_n3A_150 = arith.select %ge3A_147, %min3A_111, %select_n3A_149 : vector<1x128xi1>, vector<1x128xi32>
      %sub3A_151 = arith.constant 1 : i32
      %sub3A_152 = vector.broadcast %sub3A_151 : i32 to vector<1x128xi32>
      %sub3A_153 = arith.subi %min3A_111, %sub3A_152 : vector<1x128xi32>
      %sub3A_154 = arith.constant 1 : i32
      %sub3A_155 = vector.broadcast %sub3A_154 : i32 to vector<1x128xi32>
      %sub3A_156 = arith.subi %min3A, %sub3A_155 : vector<1x128xi32>
      %sub3A_157 = arith.constant 1 : i32
      %sub3A_158 = vector.broadcast %sub3A_157 : i32 to vector<1x128xi32>
      %sub3A_159 = arith.subi %add3A_108, %sub3A_158 : vector<1x128xi32>
      %select_n3A_160 = arith.select %ge3A_141, %sub3A_156, %sub3A_159 : vector<1x128xi1>, vector<1x128xi32>
      %select_n3A_161 = arith.select %ge3A_144, %sub3A_153, %select_n3A_160 : vector<1x128xi1>, vector<1x128xi32>
      %select_n3A_162 = arith.select %ge3A_147, %while3A_76, %select_n3A_161 : vector<1x128xi1>, vector<1x128xi32>
      scf.yield %select_n3A_150, %select_n3A_162 : vector<1x128xi32>, vector<1x128xi32>
    }
    %while3A_41 = arith.constant 1 : i32
    %while3A_42:2 = scf.for %while3A_74 = %while3A_38 to %while3A_34 step %while3A_41 iter_args(%while3A_75 = %while3A_40#0, %while3A_76 = %while3A_40#1) -> (vector<1x128xi32>, vector<1x128xi32>)  : i32 {
      %sub3A = arith.subi %while3A_76, %while3A_75 : vector<1x128xi32>
      %add3A_77 = arith.constant 3 : i32
      %add3A_78 = vector.broadcast %add3A_77 : i32 to vector<1x128xi32>
      %add3A_79 = arith.addi %sub3A, %add3A_78 : vector<1x128xi32>
      %jit3A_80 = arith.constant 4 : i64
      %convert_element_type3A_81 = arith.trunci %jit3A_80 : i64 to i32
      %div3A_82 = vector.broadcast %convert_element_type3A_81 : i32 to vector<1x128xi32>
      %div3A_83 = arith.divsi %add3A_79, %div3A_82 : vector<1x128xi32>
      %sign3A = arith.constant 0 : i32
      %sign3A_84 = vector.broadcast %sign3A : i32 to vector<1x128xi32>
      %sign3A_85 = arith.cmpi sgt, %add3A_79, %sign3A_84 : vector<1x128xi32>
      %sign3A_86 = arith.extui %sign3A_85 : vector<1x128xi1> to vector<1x128xi32>
      %sign3A_87 = arith.constant 0 : i32
      %sign3A_88 = vector.broadcast %sign3A_87 : i32 to vector<1x128xi32>
      %sign3A_89 = arith.cmpi slt, %add3A_79, %sign3A_88 : vector<1x128xi32>
      %sign3A_90 = arith.extui %sign3A_89 : vector<1x128xi1> to vector<1x128xi32>
      %sign3A_91 = arith.subi %sign3A_86, %sign3A_90 : vector<1x128xi32>
      %sign3A_92 = arith.constant 0 : i32
      %sign3A_93 = arith.cmpi sgt, %convert_element_type3A_81, %sign3A_92 : i32
      %sign3A_94 = arith.extui %sign3A_93 : i1 to i32
      %sign3A_95 = arith.constant 0 : i32
      %sign3A_96 = arith.cmpi slt, %convert_element_type3A_81, %sign3A_95 : i32
      %sign3A_97 = arith.extui %sign3A_96 : i1 to i32
      %sign3A_98 = arith.subi %sign3A_94, %sign3A_97 : i32
      %ne3A = vector.broadcast %sign3A_98 : i32 to vector<1x128xi32>
      %ne3A_99 = arith.cmpi ne, %sign3A_91, %ne3A : vector<1x128xi32>
      %rem3A = vector.broadcast %convert_element_type3A_81 : i32 to vector<1x128xi32>
      %rem3A_100 = arith.remsi %add3A_79, %rem3A : vector<1x128xi32>
      %ne3A_101 = arith.constant 0 : i32
      %ne3A_102 = vector.broadcast %ne3A_101 : i32 to vector<1x128xi32>
      %ne3A_103 = arith.cmpi ne, %rem3A_100, %ne3A_102 : vector<1x128xi32>
      %and3A = arith.andi %ne3A_99, %ne3A_103 : vector<1x128xi1>
      %sub3A_104 = arith.constant 1 : i32
      %sub3A_105 = vector.broadcast %sub3A_104 : i32 to vector<1x128xi32>
      %sub3A_106 = arith.subi %div3A_83, %sub3A_105 : vector<1x128xi32>
      %select_n3A_107 = arith.select %and3A, %sub3A_106, %div3A_83 : vector<1x128xi1>, vector<1x128xi32>
      %add3A_108 = arith.addi %while3A_75, %select_n3A_107 : vector<1x128xi32>
      %add3A_109 = arith.addi %add3A_108, %select_n3A_107 : vector<1x128xi32>
      %min3A = arith.minsi %add3A_109, %while3A_76 : vector<1x128xi32>
      %add3A_110 = arith.addi %min3A, %select_n3A_107 : vector<1x128xi32>
      %min3A_111 = arith.minsi %add3A_110, %while3A_76 : vector<1x128xi32>
      %bitcast_convert_type3A_112 = tpu.bitcast %add3A_108 : vector<1x128xi32> -> vector<1x128xf32>
      %bitcast_convert_type3A_113 = tpu.bitcast %min3A : vector<1x128xi32> -> vector<1x128xf32>
      %bitcast_convert_type3A_114 = tpu.bitcast %min3A_111 : vector<1x128xi32> -> vector<1x128xf32>
      %get3A_115 = arith.constant 0 : index
      %get3A_116 = arith.constant 0 : index
      %get3A_117 = vector.load %arg6[%get3A_115, %get3A_116] : memref<10000x128xf32, #tpu.memory_space<vmem>>, vector<10000x128xf32>
      %ge3A_118 = vector.broadcast %bitcast_convert_type3A_112 : vector<1x128xf32> to vector<10000x128xf32>
      %ge3A_119 = arith.cmpf oge, %get3A_117, %ge3A_118 : vector<10000x128xf32>
      %convert_element_type3A_120 = arith.extui %ge3A_119 : vector<10000x128xi1> to vector<10000x128xi32>
      %convert_element_type3A_121 = arith.sitofp %convert_element_type3A_120 : vector<10000x128xi32> to vector<10000x128xf32>
      %reduce_sum3A_122 = arith.constant dense<0.000000e+00> : vector<128xf32>
      %reduce_sum3A_123 = vector.multi_reduction <add>, %convert_element_type3A_121, %reduce_sum3A_122 [0] : vector<10000x128xf32> to vector<128xf32>
      %broadcast_in_dim3A_124 = vector.shape_cast %reduce_sum3A_123 : vector<128xf32> to vector<1x128xf32>
      %ge3A_125 = vector.broadcast %bitcast_convert_type3A_113 : vector<1x128xf32> to vector<10000x128xf32>
      %ge3A_126 = arith.cmpf oge, %get3A_117, %ge3A_125 : vector<10000x128xf32>
      %convert_element_type3A_127 = arith.extui %ge3A_126 : vector<10000x128xi1> to vector<10000x128xi32>
      %convert_element_type3A_128 = arith.sitofp %convert_element_type3A_127 : vector<10000x128xi32> to vector<10000x128xf32>
      %reduce_sum3A_129 = arith.constant dense<0.000000e+00> : vector<128xf32>
      %reduce_sum3A_130 = vector.multi_reduction <add>, %convert_element_type3A_128, %reduce_sum3A_129 [0] : vector<10000x128xf32> to vector<128xf32>
      %broadcast_in_dim3A_131 = vector.shape_cast %reduce_sum3A_130 : vector<128xf32> to vector<1x128xf32>
      %ge3A_132 = vector.broadcast %bitcast_convert_type3A_114 : vector<1x128xf32> to vector<10000x128xf32>
      %ge3A_133 = arith.cmpf oge, %get3A_117, %ge3A_132 : vector<10000x128xf32>
      %convert_element_type3A_134 = arith.extui %ge3A_133 : vector<10000x128xi1> to vector<10000x128xi32>
      %convert_element_type3A_135 = arith.sitofp %convert_element_type3A_134 : vector<10000x128xi32> to vector<10000x128xf32>
      %reduce_sum3A_136 = arith.constant dense<0.000000e+00> : vector<128xf32>
      %reduce_sum3A_137 = vector.multi_reduction <add>, %convert_element_type3A_135, %reduce_sum3A_136 [0] : vector<10000x128xf32> to vector<128xf32>
      %broadcast_in_dim3A_138 = vector.shape_cast %reduce_sum3A_137 : vector<128xf32> to vector<1x128xf32>
      %ge3A_139 = arith.constant 1.280000e+02 : f32
      %ge3A_140 = vector.broadcast %ge3A_139 : f32 to vector<1x128xf32>
      %ge3A_141 = arith.cmpf oge, %broadcast_in_dim3A_124, %ge3A_140 : vector<1x128xf32>
      %ge3A_142 = arith.constant 1.280000e+02 : f32
      %ge3A_143 = vector.broadcast %ge3A_142 : f32 to vector<1x128xf32>
      %ge3A_144 = arith.cmpf oge, %broadcast_in_dim3A_131, %ge3A_143 : vector<1x128xf32>
      %ge3A_145 = arith.constant 1.280000e+02 : f32
      %ge3A_146 = vector.broadcast %ge3A_145 : f32 to vector<1x128xf32>
      %ge3A_147 = arith.cmpf oge, %broadcast_in_dim3A_138, %ge3A_146 : vector<1x128xf32>
      %select_n3A_148 = arith.select %ge3A_141, %add3A_108, %while3A_75 : vector<1x128xi1>, vector<1x128xi32>
      %select_n3A_149 = arith.select %ge3A_144, %min3A, %select_n3A_148 : vector<1x128xi1>, vector<1x128xi32>
      %select_n3A_150 = arith.select %ge3A_147, %min3A_111, %select_n3A_149 : vector<1x128xi1>, vector<1x128xi32>
      %sub3A_151 = arith.constant 1 : i32
      %sub3A_152 = vector.broadcast %sub3A_151 : i32 to vector<1x128xi32>
      %sub3A_153 = arith.subi %min3A_111, %sub3A_152 : vector<1x128xi32>
      %sub3A_154 = arith.constant 1 : i32
      %sub3A_155 = vector.broadcast %sub3A_154 : i32 to vector<1x128xi32>
      %sub3A_156 = arith.subi %min3A, %sub3A_155 : vector<1x128xi32>
      %sub3A_157 = arith.constant 1 : i32
      %sub3A_158 = vector.broadcast %sub3A_157 : i32 to vector<1x128xi32>
      %sub3A_159 = arith.subi %add3A_108, %sub3A_158 : vector<1x128xi32>
      %select_n3A_160 = arith.select %ge3A_141, %sub3A_156, %sub3A_159 : vector<1x128xi1>, vector<1x128xi32>
      %select_n3A_161 = arith.select %ge3A_144, %sub3A_153, %select_n3A_160 : vector<1x128xi1>, vector<1x128xi32>
      %select_n3A_162 = arith.select %ge3A_147, %while3A_76, %select_n3A_161 : vector<1x128xi1>, vector<1x128xi32>
      scf.yield %select_n3A_150, %select_n3A_162 : vector<1x128xi32>, vector<1x128xi32>
    }
    %bitcast_convert_type3A = tpu.bitcast %while3A_42#0 : vector<1x128xi32> -> vector<1x128xf32>
    %get3A_43 = arith.constant 0 : index
    %get3A_44 = arith.constant 0 : index
    %get3A_45 = vector.load %arg6[%get3A_43, %get3A_44] : memref<10000x128xf32, #tpu.memory_space<vmem>>, vector<10000x128xf32>
    %ge3A = vector.broadcast %bitcast_convert_type3A : vector<1x128xf32> to vector<10000x128xf32>
    %ge3A_46 = arith.cmpf oge, %get3A_45, %ge3A : vector<10000x128xf32>
    %get3A_47 = arith.constant 0 : index
    %get3A_48 = arith.constant 0 : index
    %get3A_49 = vector.load %arg6[%get3A_47, %get3A_48] : memref<10000x128xf32, #tpu.memory_space<vmem>>, vector<10000x128xf32>
    %jit3A = arith.constant 0.000000e+00 : f64
    %convert_element_type3A = arith.truncf %jit3A : f64 to f32
    %broadcast_in_dim3A_50 = vector.broadcast %convert_element_type3A : f32 to vector<10000x128xf32>
    %select_n3A_51 = arith.select %ge3A_46, %get3A_49, %broadcast_in_dim3A_50 : vector<10000x128xi1>, vector<10000x128xf32>
    %reduce_sum3A = arith.constant dense<0.000000e+00> : vector<128xf32>
    %reduce_sum3A_52 = vector.multi_reduction <add>, %select_n3A_51, %reduce_sum3A [0] : vector<10000x128xf32> to vector<128xf32>
    %broadcast_in_dim3A_53 = vector.shape_cast %reduce_sum3A_52 : vector<128xf32> to vector<1x128xf32>
    %eq3A_54 = arith.constant 0.000000e+00 : f32
    %eq3A_55 = vector.broadcast %eq3A_54 : f32 to vector<1x128xf32>
    %eq3A_56 = arith.cmpf oeq, %broadcast_in_dim3A_53, %eq3A_55 : vector<1x128xf32>
    %jit3A_57 = arith.constant 1.000000e+00 : f64
    %convert_element_type3A_58 = arith.truncf %jit3A_57 : f64 to f32
    %broadcast_in_dim3A_59 = vector.broadcast %convert_element_type3A_58 : f32 to vector<1x128xf32>
    %select_n3A_60 = arith.select %eq3A_56, %broadcast_in_dim3A_59, %broadcast_in_dim3A_53 : vector<1x128xi1>, vector<1x128xf32>
    %div3A = vector.broadcast %select_n3A_60 : vector<1x128xf32> to vector<10000x128xf32>
    %div3A_61 = arith.divf %select_n3A_51, %div3A : vector<10000x128xf32>
    %get3A_62 = arith.constant 0 : index
    %get3A_63 = arith.constant 0 : index
    %get3A_64 = vector.load %arg4[%get3A_62, %get3A_63] : memref<128x128xf32, #tpu.memory_space<vmem>>, vector<128x128xf32>
    %dot_general3A = arith.constant dense<0.000000e+00> : vector<10000x128xf32>
    %dot_general3A_65 = tpu.matmul %div3A_61, %get3A_64, %dot_general3A {dimension_numbers = #tpu.dot_dimension_numbers<[1], [0], [0], [1], [0, 0, 1, 1], [], []>, transpose_lhs_hint = false} : vector<10000x128xf32>, vector<128x128xf32>, vector<10000x128xf32> -> vector<10000x128xf32>
    %eq3A_66 = arith.constant 0 : i32
    %eq3A_67 = arith.cmpi eq, %arg0, %eq3A_66 : i32
    %convert_element_type3A_68 = arith.extui %eq3A_67 : i1 to i32
    %cond3A = arith.constant 0 : i32
    %cond3A_69 = arith.cmpi ne, %convert_element_type3A_68, %cond3A : i32
    scf.if %cond3A_69 {
      %swap3A_74 = arith.constant 0 : index
      %swap3A_75 = arith.constant 0 : index
      %swap3A_76 = vector.load %arg5[%swap3A_74, %swap3A_75] : memref<10000x128xf32, #tpu.memory_space<vmem>>, vector<10000x128xf32>
      tpu.vector_store %arg5[%swap3A_74, %swap3A_75], %dot_general3A_65 {strides = array<i32>} : memref<10000x128xf32, #tpu.memory_space<vmem>>, vector<10000x128xf32>,
    } else {
    }
    %gt3A = arith.constant 0 : i32
    %gt3A_70 = arith.cmpi sgt, %arg0, %gt3A : i32
    %convert_element_type3A_71 = arith.extui %gt3A_70 : i1 to i32
    %cond3A_72 = arith.constant 0 : i32
    %cond3A_73 = arith.cmpi ne, %convert_element_type3A_71, %cond3A_72 : i32
    scf.if %cond3A_73 {
      %get3A_74 = arith.constant 0 : index
      %get3A_75 = arith.constant 0 : index
      %get3A_76 = vector.load %arg5[%get3A_74, %get3A_75] : memref<10000x128xf32, #tpu.memory_space<vmem>>, vector<10000x128xf32>
      %add3A_77 = arith.addf %get3A_76, %dot_general3A_65 : vector<10000x128xf32>
      %swap3A_78 = arith.constant 0 : index
      %swap3A_79 = arith.constant 0 : index
      %swap3A_80 = vector.load %arg5[%swap3A_78, %swap3A_79] : memref<10000x128xf32, #tpu.memory_space<vmem>>, vector<10000x128xf32>
      tpu.vector_store %arg5[%swap3A_78, %swap3A_79], %add3A_77 {strides = array<i32>} : memref<10000x128xf32, #tpu.memory_space<vmem>>, vector<10000x128xf32>,
    } else {
    }
    return
  }
  func.func @transform_0(%arg0: i32) -> (i32, i32) {
    %c0_i32 = arith.constant 0 : i32
    %c0_i32_0 = arith.constant 0 : i32
    return %c0_i32, %arg0 : i32, i32
  }
  func.func @transform_1(%arg0: i32) -> (i32, i32) {
    %c0_i32 = arith.constant 0 : i32
    %c0_i32_0 = arith.constant 0 : i32
    %c0_i32_1 = arith.constant 0 : i32
    return %c0_i32, %c0_i32_0 : i32, i32
  }
  func.func @transform_2(%arg0: i32) -> (i32, i32) {
    %c0_i32 = arith.constant 0 : i32
    %c0_i32_0 = arith.constant 0 : i32
    return %c0_i32, %arg0 : i32, i32
  }
  func.func @transform_3(%arg0: i32) -> (i32, i32) {
    %c0_i32 = arith.constant 0 : i32
    %c0_i32_0 = arith.constant 0 : i32
    return %arg0, %c0_i32 : i32, i32
  }
  func.func @transform_4(%arg0: i32) -> (i32, i32) {
    %c0_i32 = arith.constant 0 : i32
    %c0_i32_0 = arith.constant 0 : i32
    %c0_i32_1 = arith.constant 0 : i32
    return %c0_i32, %c0_i32_0 : i32, i32
  }
}

module attributes {stable_mosaic.version = 14 : i64} {
  func.func @_k4_body(%arg0: i32, %arg1: memref<2000x128xf32, #tpu.memory_space<vmem>>, %arg2: memref<2000x128xf32, #tpu.memory_space<vmem>>, %arg3: memref<2000x1xf32, #tpu.memory_space<vmem>>, %arg4: memref<128x128xf32, #tpu.memory_space<vmem>>, %arg5: memref<128x128xf32, #tpu.memory_space<vmem>>, %arg6: memref<1x128xf32, #tpu.memory_space<vmem>>, %arg7: memref<128x128xf32, #tpu.memory_space<vmem>>, %arg8: memref<2000x128xf32, #tpu.memory_space<vmem>>, %arg9: memref<2000x1xf32, #tpu.memory_space<vmem>>, %arg10: memref<2000x128xf32, #tpu.memory_space<vmem>>, %arg11: memref<2000x128xf32, #tpu.memory_space<vmem>>) attributes {dimension_semantics = [#tpu.dimension_semantics<arbitrary>], iteration_bounds = array<i64: 5>, scalar_prefetch = 0 : i64, scratch_operands = 0 : i64, tpu.core_type = #tpu.core_type<tc>, window_params = [{transform_indices = @transform_0, window_bounds = array<i64: 2000, 128>}, {transform_indices = @transform_1, window_bounds = array<i64: 2000, 128>}, {transform_indices = @transform_2, window_bounds = array<i64: 2000, 1>}, {pipeline_mode = #tpu.pipeline_mode<synchronous>, transform_indices = @transform_3, window_bounds = array<i64: 128, 128>}, {pipeline_mode = #tpu.pipeline_mode<synchronous>, transform_indices = @transform_4, window_bounds = array<i64: 128, 128>}, {pipeline_mode = #tpu.pipeline_mode<synchronous>, transform_indices = @transform_5, window_bounds = array<i64: 1, 128>}, {pipeline_mode = #tpu.pipeline_mode<synchronous>, transform_indices = @transform_6, window_bounds = array<i64: 128, 128>}, {transform_indices = @transform_7, window_bounds = array<i64: 2000, 128>}, {transform_indices = @transform_8, window_bounds = array<i64: 2000, 1>}, {transform_indices = @transform_9, window_bounds = array<i64: 2000, 128>}, {transform_indices = @transform_10, window_bounds = array<i64: 2000, 128>}]} {
    %get3A = arith.constant 0 : index
    %get3A_0 = arith.constant 0 : index
    %get3A_1 = vector.load %arg1[%get3A, %get3A_0] : memref<2000x128xf32, #tpu.memory_space<vmem>>, vector<2000x128xf32>
    %get3A_2 = arith.constant 0 : index
    %get3A_3 = arith.constant 0 : index
    %get3A_4 = vector.load %arg4[%get3A_2, %get3A_3] : memref<128x128xf32, #tpu.memory_space<vmem>>, vector<128x128xf32>
    %dot_general3A = arith.constant dense<0.000000e+00> : vector<2000x128xf32>
    %dot_general3A_5 = tpu.matmul %get3A_1, %get3A_4, %dot_general3A {dimension_numbers = #tpu.dot_dimension_numbers<[1], [0], [0], [1], [0, 0, 1, 1], [], []>, transpose_lhs_hint = false} : vector<2000x128xf32>, vector<128x128xf32>, vector<2000x128xf32> -> vector<2000x128xf32>
    %get3A_6 = arith.constant 0 : index
    %get3A_7 = arith.constant 0 : index
    %get3A_8 = vector.load %arg2[%get3A_6, %get3A_7] : memref<2000x128xf32, #tpu.memory_space<vmem>>, vector<2000x128xf32>
    %get3A_9 = arith.constant 0 : index
    %get3A_10 = arith.constant 0 : index
    %get3A_11 = vector.load %arg5[%get3A_9, %get3A_10] : memref<128x128xf32, #tpu.memory_space<vmem>>, vector<128x128xf32>
    %dot_general3A_12 = arith.constant dense<0.000000e+00> : vector<2000x128xf32>
    %dot_general3A_13 = tpu.matmul %get3A_8, %get3A_11, %dot_general3A_12 {dimension_numbers = #tpu.dot_dimension_numbers<[1], [0], [0], [1], [0, 0, 1, 1], [], []>, transpose_lhs_hint = false} : vector<2000x128xf32>, vector<128x128xf32>, vector<2000x128xf32> -> vector<2000x128xf32>
    %add3A = arith.addf %dot_general3A_5, %dot_general3A_13 : vector<2000x128xf32>
    %get3A_14 = arith.constant 0 : index
    %get3A_15 = arith.constant 0 : index
    %get3A_16 = vector.load %arg6[%get3A_14, %get3A_15] : memref<1x128xf32, #tpu.memory_space<vmem>>, vector<1x128xf32>
    %add3A_17 = vector.broadcast %get3A_16 : vector<1x128xf32> to vector<2000x128xf32>
    %add3A_18 = arith.addf %add3A, %add3A_17 : vector<2000x128xf32>
    %max3A = arith.constant 0.000000e+00 : f32
    %max3A_19 = vector.broadcast %max3A : f32 to vector<2000x128xf32>
    %max3A_20 = arith.maximumf %add3A_18, %max3A_19 : vector<2000x128xf32>
    %swap3A = arith.constant 0 : index
    %swap3A_21 = arith.constant 0 : index
    %swap3A_22 = vector.load %arg8[%swap3A, %swap3A_21] : memref<2000x128xf32, #tpu.memory_space<vmem>>, vector<2000x128xf32>
    tpu.vector_store %arg8[%swap3A, %swap3A_21], %max3A_20 {strides = array<i32>} : memref<2000x128xf32, #tpu.memory_space<vmem>>, vector<2000x128xf32>,
    %get3A_23 = arith.constant 0 : index
    %get3A_24 = arith.constant 0 : index
    %get3A_25 = vector.load %arg3[%get3A_23, %get3A_24] : memref<2000x1xf32, #tpu.memory_space<vmem>>, vector<2000x1xf32>
    %add3A_26 = arith.constant 1.000000e+00 : f32
    %add3A_27 = vector.broadcast %add3A_26 : f32 to vector<2000x1xf32>
    %add3A_28 = arith.addf %get3A_25, %add3A_27 : vector<2000x1xf32>
    %max3A_29 = arith.constant 1.000000e+00 : f32
    %max3A_30 = vector.broadcast %max3A_29 : f32 to vector<2000x1xf32>
    %max3A_31 = arith.maximumf %add3A_28, %max3A_30 : vector<2000x1xf32>
    %rsqrt3A = math.rsqrt %max3A_31 : vector<2000x1xf32>
    %swap3A_32 = arith.constant 0 : index
    %swap3A_33 = arith.constant 0 : index
    %swap3A_34 = vector.load %arg9[%swap3A_32, %swap3A_33] : memref<2000x1xf32, #tpu.memory_space<vmem>>, vector<2000x1xf32>
    tpu.vector_store %arg9[%swap3A_32, %swap3A_33], %rsqrt3A {strides = array<i32>} : memref<2000x1xf32, #tpu.memory_space<vmem>>, vector<2000x1xf32>,
    %get3A_35 = arith.constant 0 : index
    %get3A_36 = arith.constant 0 : index
    %get3A_37 = vector.load %arg2[%get3A_35, %get3A_36] : memref<2000x128xf32, #tpu.memory_space<vmem>>, vector<2000x128xf32>
    %add3A_38 = arith.addf %max3A_20, %get3A_37 : vector<2000x128xf32>
    %get3A_39 = arith.constant 0 : index
    %get3A_40 = arith.constant 0 : index
    %get3A_41 = vector.load %arg7[%get3A_39, %get3A_40] : memref<128x128xf32, #tpu.memory_space<vmem>>, vector<128x128xf32>
    %dot_general3A_42 = arith.constant dense<0.000000e+00> : vector<2000x128xf32>
    %dot_general3A_43 = tpu.matmul %add3A_38, %get3A_41, %dot_general3A_42 {dimension_numbers = #tpu.dot_dimension_numbers<[1], [0], [0], [1], [0, 0, 1, 1], [], []>, transpose_lhs_hint = false} : vector<2000x128xf32>, vector<128x128xf32>, vector<2000x128xf32> -> vector<2000x128xf32>
    %swap3A_44 = arith.constant 0 : index
    %swap3A_45 = arith.constant 0 : index
    %swap3A_46 = vector.load %arg10[%swap3A_44, %swap3A_45] : memref<2000x128xf32, #tpu.memory_space<vmem>>, vector<2000x128xf32>
    tpu.vector_store %arg10[%swap3A_44, %swap3A_45], %dot_general3A_43 {strides = array<i32>} : memref<2000x128xf32, #tpu.memory_space<vmem>>, vector<2000x128xf32>,
    %mul3A = vector.broadcast %rsqrt3A : vector<2000x1xf32> to vector<2000x128xf32>
    %mul3A_47 = arith.mulf %mul3A, %dot_general3A_43 : vector<2000x128xf32>
    %swap3A_48 = arith.constant 0 : index
    %swap3A_49 = arith.constant 0 : index
    %swap3A_50 = vector.load %arg11[%swap3A_48, %swap3A_49] : memref<2000x128xf32, #tpu.memory_space<vmem>>, vector<2000x128xf32>
    tpu.vector_store %arg11[%swap3A_48, %swap3A_49], %mul3A_47 {strides = array<i32>} : memref<2000x128xf32, #tpu.memory_space<vmem>>, vector<2000x128xf32>,
    return
  }
  func.func @transform_0(%arg0: i32) -> (i32, i32) {
    %c0_i32 = arith.constant 0 : i32
    %c0_i32_0 = arith.constant 0 : i32
    return %arg0, %c0_i32 : i32, i32
  }
  func.func @transform_1(%arg0: i32) -> (i32, i32) {
    %c0_i32 = arith.constant 0 : i32
    %c0_i32_0 = arith.constant 0 : i32
    return %arg0, %c0_i32 : i32, i32
  }
  func.func @transform_2(%arg0: i32) -> (i32, i32) {
    %c0_i32 = arith.constant 0 : i32
    %c0_i32_0 = arith.constant 0 : i32
    return %arg0, %c0_i32 : i32, i32
  }
  func.func @transform_3(%arg0: i32) -> (i32, i32) {
    %c0_i32 = arith.constant 0 : i32
    %c0_i32_0 = arith.constant 0 : i32
    %c0_i32_1 = arith.constant 0 : i32
    return %c0_i32, %c0_i32_0 : i32, i32
  }
  func.func @transform_4(%arg0: i32) -> (i32, i32) {
    %c0_i32 = arith.constant 0 : i32
    %c0_i32_0 = arith.constant 0 : i32
    %c0_i32_1 = arith.constant 0 : i32
    return %c0_i32, %c0_i32_0 : i32, i32
  }
  func.func @transform_5(%arg0: i32) -> (i32, i32) {
    %c0_i32 = arith.constant 0 : i32
    %c0_i32_0 = arith.constant 0 : i32
    %c0_i32_1 = arith.constant 0 : i32
    return %c0_i32, %c0_i32_0 : i32, i32
  }
  func.func @transform_6(%arg0: i32) -> (i32, i32) {
    %c0_i32 = arith.constant 0 : i32
    %c0_i32_0 = arith.constant 0 : i32
    %c0_i32_1 = arith.constant 0 : i32
    return %c0_i32, %c0_i32_0 : i32, i32
  }
  func.func @transform_7(%arg0: i32) -> (i32, i32) {
    %c0_i32 = arith.constant 0 : i32
    %c0_i32_0 = arith.constant 0 : i32
    return %arg0, %c0_i32 : i32, i32
  }
  func.func @transform_8(%arg0: i32) -> (i32, i32) {
    %c0_i32 = arith.constant 0 : i32
    %c0_i32_0 = arith.constant 0 : i32
    return %arg0, %c0_i32 : i32, i32
  }
  func.func @transform_9(%arg0: i32) -> (i32, i32) {
    %c0_i32 = arith.constant 0 : i32
    %c0_i32_0 = arith.constant 0 : i32
    return %arg0, %c0_i32 : i32, i32
  }
  func.func @transform_10(%arg0: i32) -> (i32, i32) {
    %c0_i32 = arith.constant 0 : i32
    %c0_i32_0 = arith.constant 0 : i32
    return %arg0, %c0_i32 : i32, i32
  }
}

module attributes {stable_mosaic.version = 14 : i64} {
  func.func @_k5_body(%arg0: i32, %arg1: memref<2x2000x128xf32, #tpu.memory_space<vmem>>, %arg2: memref<2000x128xf32, #tpu.memory_space<vmem>>, %arg3: memref<2000x1xf32, #tpu.memory_space<vmem>>, %arg4: memref<1x128xf32, #tpu.memory_space<vmem>>, %arg5: memref<128x128xf32, #tpu.memory_space<vmem>>, %arg6: memref<2000x128xf32, #tpu.memory_space<vmem>>, %arg7: memref<2000x128xf32, #tpu.memory_space<vmem>>, %arg8: memref<2000x128xf32, #tpu.memory_space<vmem>>) attributes {dimension_semantics = [#tpu.dimension_semantics<arbitrary>], iteration_bounds = array<i64: 5>, scalar_prefetch = 0 : i64, scratch_operands = 0 : i64, tpu.core_type = #tpu.core_type<tc>, window_params = [{transform_indices = @transform_0, window_bounds = array<i64: 2, 2000, 128>}, {transform_indices = @transform_1, window_bounds = array<i64: 2000, 128>}, {transform_indices = @transform_2, window_bounds = array<i64: 2000, 1>}, {pipeline_mode = #tpu.pipeline_mode<synchronous>, transform_indices = @transform_3, window_bounds = array<i64: 1, 128>}, {pipeline_mode = #tpu.pipeline_mode<synchronous>, transform_indices = @transform_4, window_bounds = array<i64: 128, 128>}, {transform_indices = @transform_5, window_bounds = array<i64: 2000, 128>}, {transform_indices = @transform_6, window_bounds = array<i64: 2000, 128>}, {transform_indices = @transform_7, window_bounds = array<i64: 2000, 128>}]} {
    %get3A = arith.constant 0 : index
    %get3A_0 = arith.constant 0 : index
    %get3A_1 = arith.constant 0 : index
    %get3A_2 = vector.load %arg1[%get3A, %get3A_0, %get3A_1] : memref<2x2000x128xf32, #tpu.memory_space<vmem>>, vector<1x2000x128xf32>
    %get3A_3 = vector.shape_cast %get3A_2 : vector<1x2000x128xf32> to vector<2000x128xf32>
    %get3A_4 = arith.constant 1 : index
    %get3A_5 = arith.constant 0 : index
    %get3A_6 = arith.constant 0 : index
    %get3A_7 = vector.load %arg1[%get3A_4, %get3A_5, %get3A_6] : memref<2x2000x128xf32, #tpu.memory_space<vmem>>, vector<1x2000x128xf32>
    %get3A_8 = vector.shape_cast %get3A_7 : vector<1x2000x128xf32> to vector<2000x128xf32>
    %add3A = arith.addf %get3A_3, %get3A_8 : vector<2000x128xf32>
    %get3A_9 = arith.constant 0 : index
    %get3A_10 = arith.constant 0 : index
    %get3A_11 = vector.load %arg3[%get3A_9, %get3A_10] : memref<2000x1xf32, #tpu.memory_space<vmem>>, vector<2000x1xf32>
    %mul3A = vector.broadcast %get3A_11 : vector<2000x1xf32> to vector<2000x128xf32>
    %mul3A_12 = arith.mulf %mul3A, %add3A : vector<2000x128xf32>
    %mul3A_13 = arith.mulf %get3A_11, %get3A_11 : vector<2000x1xf32>
    %get3A_14 = arith.constant 0 : index
    %get3A_15 = arith.constant 0 : index
    %get3A_16 = vector.load %arg2[%get3A_14, %get3A_15] : memref<2000x128xf32, #tpu.memory_space<vmem>>, vector<2000x128xf32>
    %mul3A_17 = vector.broadcast %mul3A_13 : vector<2000x1xf32> to vector<2000x128xf32>
    %mul3A_18 = arith.mulf %mul3A_17, %get3A_16 : vector<2000x128xf32>
    %add3A_19 = arith.addf %mul3A_12, %mul3A_18 : vector<2000x128xf32>
    %get3A_20 = arith.constant 0 : index
    %get3A_21 = arith.constant 0 : index
    %get3A_22 = vector.load %arg4[%get3A_20, %get3A_21] : memref<1x128xf32, #tpu.memory_space<vmem>>, vector<1x128xf32>
    %add3A_23 = vector.broadcast %get3A_22 : vector<1x128xf32> to vector<2000x128xf32>
    %add3A_24 = arith.addf %add3A_19, %add3A_23 : vector<2000x128xf32>
    %max3A = arith.constant 0.000000e+00 : f32
    %max3A_25 = vector.broadcast %max3A : f32 to vector<2000x128xf32>
    %max3A_26 = arith.maximumf %add3A_24, %max3A_25 : vector<2000x128xf32>
    %swap3A = arith.constant 0 : index
    %swap3A_27 = arith.constant 0 : index
    %swap3A_28 = vector.load %arg6[%swap3A, %swap3A_27] : memref<2000x128xf32, #tpu.memory_space<vmem>>, vector<2000x128xf32>
    tpu.vector_store %arg6[%swap3A, %swap3A_27], %max3A_26 {strides = array<i32>} : memref<2000x128xf32, #tpu.memory_space<vmem>>, vector<2000x128xf32>,
    %get3A_29 = arith.constant 0 : index
    %get3A_30 = arith.constant 0 : index
    %get3A_31 = vector.load %arg5[%get3A_29, %get3A_30] : memref<128x128xf32, #tpu.memory_space<vmem>>, vector<128x128xf32>
    %dot_general3A = arith.constant dense<0.000000e+00> : vector<2000x128xf32>
    %dot_general3A_32 = tpu.matmul %max3A_26, %get3A_31, %dot_general3A {dimension_numbers = #tpu.dot_dimension_numbers<[1], [0], [0], [1], [0, 0, 1, 1], [], []>, transpose_lhs_hint = false} : vector<2000x128xf32>, vector<128x128xf32>, vector<2000x128xf32> -> vector<2000x128xf32>
    %swap3A_33 = arith.constant 0 : index
    %swap3A_34 = arith.constant 0 : index
    %swap3A_35 = vector.load %arg7[%swap3A_33, %swap3A_34] : memref<2000x128xf32, #tpu.memory_space<vmem>>, vector<2000x128xf32>
    tpu.vector_store %arg7[%swap3A_33, %swap3A_34], %dot_general3A_32 {strides = array<i32>} : memref<2000x128xf32, #tpu.memory_space<vmem>>, vector<2000x128xf32>,
    %mul3A_36 = vector.broadcast %get3A_11 : vector<2000x1xf32> to vector<2000x128xf32>
    %mul3A_37 = arith.mulf %mul3A_36, %dot_general3A_32 : vector<2000x128xf32>
    %swap3A_38 = arith.constant 0 : index
    %swap3A_39 = arith.constant 0 : index
    %swap3A_40 = vector.load %arg8[%swap3A_38, %swap3A_39] : memref<2000x128xf32, #tpu.memory_space<vmem>>, vector<2000x128xf32>
    tpu.vector_store %arg8[%swap3A_38, %swap3A_39], %mul3A_37 {strides = array<i32>} : memref<2000x128xf32, #tpu.memory_space<vmem>>, vector<2000x128xf32>,
    return
  }
  func.func @transform_0(%arg0: i32) -> (i32, i32, i32) {
    %c0_i32 = arith.constant 0 : i32
    %c0_i32_0 = arith.constant 0 : i32
    %c0_i32_1 = arith.constant 0 : i32
    return %c0_i32, %arg0, %c0_i32_0 : i32, i32, i32
  }
  func.func @transform_1(%arg0: i32) -> (i32, i32) {
    %c0_i32 = arith.constant 0 : i32
    %c0_i32_0 = arith.constant 0 : i32
    return %arg0, %c0_i32 : i32, i32
  }
  func.func @transform_2(%arg0: i32) -> (i32, i32) {
    %c0_i32 = arith.constant 0 : i32
    %c0_i32_0 = arith.constant 0 : i32
    return %arg0, %c0_i32 : i32, i32
  }
  func.func @transform_3(%arg0: i32) -> (i32, i32) {
    %c0_i32 = arith.constant 0 : i32
    %c0_i32_0 = arith.constant 0 : i32
    %c0_i32_1 = arith.constant 0 : i32
    return %c0_i32, %c0_i32_0 : i32, i32
  }
  func.func @transform_4(%arg0: i32) -> (i32, i32) {
    %c0_i32 = arith.constant 0 : i32
    %c0_i32_0 = arith.constant 0 : i32
    %c0_i32_1 = arith.constant 0 : i32
    return %c0_i32, %c0_i32_0 : i32, i32
  }
  func.func @transform_5(%arg0: i32) -> (i32, i32) {
    %c0_i32 = arith.constant 0 : i32
    %c0_i32_0 = arith.constant 0 : i32
    return %arg0, %c0_i32 : i32, i32
  }
  func.func @transform_6(%arg0: i32) -> (i32, i32) {
    %c0_i32 = arith.constant 0 : i32
    %c0_i32_0 = arith.constant 0 : i32
    return %arg0, %c0_i32 : i32, i32
  }
  func.func @transform_7(%arg0: i32) -> (i32, i32) {
    %c0_i32 = arith.constant 0 : i32
    %c0_i32_0 = arith.constant 0 : i32
    return %arg0, %c0_i32 : i32, i32
  }
}

module attributes {stable_mosaic.version = 14 : i64} {
  func.func @_k6_body(%arg0: i32, %arg1: memref<2x2000x128xf32, #tpu.memory_space<vmem>>, %arg2: memref<2000x128xf32, #tpu.memory_space<vmem>>, %arg3: memref<2000x1xf32, #tpu.memory_space<vmem>>, %arg4: memref<2000x128xf32, #tpu.memory_space<vmem>>, %arg5: memref<2000x128xf32, #tpu.memory_space<vmem>>, %arg6: memref<1x128xf32, #tpu.memory_space<vmem>>, %arg7: memref<128x128xf32, #tpu.memory_space<vmem>>, %arg8: memref<128x128xf32, #tpu.memory_space<vmem>>, %arg9: memref<128x128xf32, #tpu.memory_space<vmem>>, %arg10: memref<1x128xf32, #tpu.memory_space<vmem>>, %arg11: memref<128x128xf32, #tpu.memory_space<vmem>>, %arg12: memref<1x128xf32, #tpu.memory_space<vmem>>, %arg13: memref<128x12xf32, #tpu.memory_space<vmem>>, %arg14: memref<1x12xf32, #tpu.memory_space<vmem>>, %arg15: memref<2000x12xf32, #tpu.memory_space<vmem>>) attributes {dimension_semantics = [#tpu.dimension_semantics<arbitrary>], iteration_bounds = array<i64: 5>, scalar_prefetch = 0 : i64, scratch_operands = 0 : i64, tpu.core_type = #tpu.core_type<tc>, window_params = [{transform_indices = @transform_0, window_bounds = array<i64: 2, 2000, 128>}, {transform_indices = @transform_1, window_bounds = array<i64: 2000, 128>}, {transform_indices = @transform_2, window_bounds = array<i64: 2000, 1>}, {transform_indices = @transform_3, window_bounds = array<i64: 2000, 128>}, {transform_indices = @transform_4, window_bounds = array<i64: 2000, 128>}, {pipeline_mode = #tpu.pipeline_mode<synchronous>, transform_indices = @transform_5, window_bounds = array<i64: 1, 128>}, {pipeline_mode = #tpu.pipeline_mode<synchronous>, transform_indices = @transform_6, window_bounds = array<i64: 128, 128>}, {pipeline_mode = #tpu.pipeline_mode<synchronous>, transform_indices = @transform_7, window_bounds = array<i64: 128, 128>}, {pipeline_mode = #tpu.pipeline_mode<synchronous>, transform_indices = @transform_8, window_bounds = array<i64: 128, 128>}, {pipeline_mode = #tpu.pipeline_mode<synchronous>, transform_indices = @transform_9, window_bounds = array<i64: 1, 128>}, {pipeline_mode = #tpu.pipeline_mode<synchronous>, transform_indices = @transform_10, window_bounds = array<i64: 128, 128>}, {pipeline_mode = #tpu.pipeline_mode<synchronous>, transform_indices = @transform_11, window_bounds = array<i64: 1, 128>}, {pipeline_mode = #tpu.pipeline_mode<synchronous>, transform_indices = @transform_12, window_bounds = array<i64: 128, 12>}, {pipeline_mode = #tpu.pipeline_mode<synchronous>, transform_indices = @transform_13, window_bounds = array<i64: 1, 12>}, {transform_indices = @transform_14, window_bounds = array<i64: 2000, 12>}]} {
    %get3A = arith.constant 0 : index
    %get3A_0 = arith.constant 0 : index
    %get3A_1 = arith.constant 0 : index
    %get3A_2 = vector.load %arg1[%get3A, %get3A_0, %get3A_1] : memref<2x2000x128xf32, #tpu.memory_space<vmem>>, vector<1x2000x128xf32>
    %get3A_3 = vector.shape_cast %get3A_2 : vector<1x2000x128xf32> to vector<2000x128xf32>
    %get3A_4 = arith.constant 1 : index
    %get3A_5 = arith.constant 0 : index
    %get3A_6 = arith.constant 0 : index
    %get3A_7 = vector.load %arg1[%get3A_4, %get3A_5, %get3A_6] : memref<2x2000x128xf32, #tpu.memory_space<vmem>>, vector<1x2000x128xf32>
    %get3A_8 = vector.shape_cast %get3A_7 : vector<1x2000x128xf32> to vector<2000x128xf32>
    %add3A = arith.addf %get3A_3, %get3A_8 : vector<2000x128xf32>
    %get3A_9 = arith.constant 0 : index
    %get3A_10 = arith.constant 0 : index
    %get3A_11 = vector.load %arg3[%get3A_9, %get3A_10] : memref<2000x1xf32, #tpu.memory_space<vmem>>, vector<2000x1xf32>
    %mul3A = vector.broadcast %get3A_11 : vector<2000x1xf32> to vector<2000x128xf32>
    %mul3A_12 = arith.mulf %mul3A, %add3A : vector<2000x128xf32>
    %mul3A_13 = arith.mulf %get3A_11, %get3A_11 : vector<2000x1xf32>
    %get3A_14 = arith.constant 0 : index
    %get3A_15 = arith.constant 0 : index
    %get3A_16 = vector.load %arg2[%get3A_14, %get3A_15] : memref<2000x128xf32, #tpu.memory_space<vmem>>, vector<2000x128xf32>
    %mul3A_17 = vector.broadcast %mul3A_13 : vector<2000x1xf32> to vector<2000x128xf32>
    %mul3A_18 = arith.mulf %mul3A_17, %get3A_16 : vector<2000x128xf32>
    %add3A_19 = arith.addf %mul3A_12, %mul3A_18 : vector<2000x128xf32>
    %get3A_20 = arith.constant 0 : index
    %get3A_21 = arith.constant 0 : index
    %get3A_22 = vector.load %arg6[%get3A_20, %get3A_21] : memref<1x128xf32, #tpu.memory_space<vmem>>, vector<1x128xf32>
    %add3A_23 = vector.broadcast %get3A_22 : vector<1x128xf32> to vector<2000x128xf32>
    %add3A_24 = arith.addf %add3A_19, %add3A_23 : vector<2000x128xf32>
    %max3A = arith.constant 0.000000e+00 : f32
    %max3A_25 = vector.broadcast %max3A : f32 to vector<2000x128xf32>
    %max3A_26 = arith.maximumf %add3A_24, %max3A_25 : vector<2000x128xf32>
    %get3A_27 = arith.constant 0 : index
    %get3A_28 = arith.constant 0 : index
    %get3A_29 = vector.load %arg4[%get3A_27, %get3A_28] : memref<2000x128xf32, #tpu.memory_space<vmem>>, vector<2000x128xf32>
    %get3A_30 = arith.constant 0 : index
    %get3A_31 = arith.constant 0 : index
    %get3A_32 = vector.load %arg7[%get3A_30, %get3A_31] : memref<128x128xf32, #tpu.memory_space<vmem>>, vector<128x128xf32>
    %dot_general3A = arith.constant dense<0.000000e+00> : vector<2000x128xf32>
    %dot_general3A_33 = tpu.matmul %get3A_29, %get3A_32, %dot_general3A {dimension_numbers = #tpu.dot_dimension_numbers<[1], [0], [0], [1], [0, 0, 1, 1], [], []>, transpose_lhs_hint = false} : vector<2000x128xf32>, vector<128x128xf32>, vector<2000x128xf32> -> vector<2000x128xf32>
    %get3A_34 = arith.constant 0 : index
    %get3A_35 = arith.constant 0 : index
    %get3A_36 = vector.load %arg5[%get3A_34, %get3A_35] : memref<2000x128xf32, #tpu.memory_space<vmem>>, vector<2000x128xf32>
    %get3A_37 = arith.constant 0 : index
    %get3A_38 = arith.constant 0 : index
    %get3A_39 = vector.load %arg8[%get3A_37, %get3A_38] : memref<128x128xf32, #tpu.memory_space<vmem>>, vector<128x128xf32>
    %dot_general3A_40 = arith.constant dense<0.000000e+00> : vector<2000x128xf32>
    %dot_general3A_41 = tpu.matmul %get3A_36, %get3A_39, %dot_general3A_40 {dimension_numbers = #tpu.dot_dimension_numbers<[1], [0], [0], [1], [0, 0, 1, 1], [], []>, transpose_lhs_hint = false} : vector<2000x128xf32>, vector<128x128xf32>, vector<2000x128xf32> -> vector<2000x128xf32>
    %add3A_42 = arith.addf %dot_general3A_33, %dot_general3A_41 : vector<2000x128xf32>
    %get3A_43 = arith.constant 0 : index
    %get3A_44 = arith.constant 0 : index
    %get3A_45 = vector.load %arg9[%get3A_43, %get3A_44] : memref<128x128xf32, #tpu.memory_space<vmem>>, vector<128x128xf32>
    %dot_general3A_46 = arith.constant dense<0.000000e+00> : vector<2000x128xf32>
    %dot_general3A_47 = tpu.matmul %max3A_26, %get3A_45, %dot_general3A_46 {dimension_numbers = #tpu.dot_dimension_numbers<[1], [0], [0], [1], [0, 0, 1, 1], [], []>, transpose_lhs_hint = false} : vector<2000x128xf32>, vector<128x128xf32>, vector<2000x128xf32> -> vector<2000x128xf32>
    %add3A_48 = arith.addf %add3A_42, %dot_general3A_47 : vector<2000x128xf32>
    %get3A_49 = arith.constant 0 : index
    %get3A_50 = arith.constant 0 : index
    %get3A_51 = vector.load %arg10[%get3A_49, %get3A_50] : memref<1x128xf32, #tpu.memory_space<vmem>>, vector<1x128xf32>
    %add3A_52 = vector.broadcast %get3A_51 : vector<1x128xf32> to vector<2000x128xf32>
    %add3A_53 = arith.addf %add3A_48, %add3A_52 : vector<2000x128xf32>
    %max3A_54 = arith.constant 0.000000e+00 : f32
    %max3A_55 = vector.broadcast %max3A_54 : f32 to vector<2000x128xf32>
    %max3A_56 = arith.maximumf %add3A_53, %max3A_55 : vector<2000x128xf32>
    %get3A_57 = arith.constant 0 : index
    %get3A_58 = arith.constant 0 : index
    %get3A_59 = vector.load %arg11[%get3A_57, %get3A_58] : memref<128x128xf32, #tpu.memory_space<vmem>>, vector<128x128xf32>
    %dot_general3A_60 = arith.constant dense<0.000000e+00> : vector<2000x128xf32>
    %dot_general3A_61 = tpu.matmul %max3A_56, %get3A_59, %dot_general3A_60 {dimension_numbers = #tpu.dot_dimension_numbers<[1], [0], [0], [1], [0, 0, 1, 1], [], []>, transpose_lhs_hint = false} : vector<2000x128xf32>, vector<128x128xf32>, vector<2000x128xf32> -> vector<2000x128xf32>
    %get3A_62 = arith.constant 0 : index
    %get3A_63 = arith.constant 0 : index
    %get3A_64 = vector.load %arg12[%get3A_62, %get3A_63] : memref<1x128xf32, #tpu.memory_space<vmem>>, vector<1x128xf32>
    %add3A_65 = vector.broadcast %get3A_64 : vector<1x128xf32> to vector<2000x128xf32>
    %add3A_66 = arith.addf %dot_general3A_61, %add3A_65 : vector<2000x128xf32>
    %max3A_67 = arith.constant 0.000000e+00 : f32
    %max3A_68 = vector.broadcast %max3A_67 : f32 to vector<2000x128xf32>
    %max3A_69 = arith.maximumf %add3A_66, %max3A_68 : vector<2000x128xf32>
    %get3A_70 = arith.constant 0 : index
    %get3A_71 = arith.constant 0 : index
    %get3A_72 = vector.load %arg13[%get3A_70, %get3A_71] : memref<128x12xf32, #tpu.memory_space<vmem>>, vector<128x12xf32>
    %dot_general3A_73 = arith.constant dense<0.000000e+00> : vector<2000x12xf32>
    %dot_general3A_74 = tpu.matmul %max3A_69, %get3A_72, %dot_general3A_73 {dimension_numbers = #tpu.dot_dimension_numbers<[1], [0], [0], [1], [0, 0, 1, 1], [], []>, transpose_lhs_hint = false} : vector<2000x128xf32>, vector<128x12xf32>, vector<2000x12xf32> -> vector<2000x12xf32>
    %get3A_75 = arith.constant 0 : index
    %get3A_76 = arith.constant 0 : index
    %get3A_77 = vector.load %arg14[%get3A_75, %get3A_76] : memref<1x12xf32, #tpu.memory_space<vmem>>, vector<1x12xf32>
    %add3A_78 = vector.broadcast %get3A_77 : vector<1x12xf32> to vector<2000x12xf32>
    %add3A_79 = arith.addf %dot_general3A_74, %add3A_78 : vector<2000x12xf32>
    %swap3A = arith.constant 0 : index
    %swap3A_80 = arith.constant 0 : index
    %swap3A_81 = vector.load %arg15[%swap3A, %swap3A_80] : memref<2000x12xf32, #tpu.memory_space<vmem>>, vector<2000x12xf32>
    tpu.vector_store %arg15[%swap3A, %swap3A_80], %add3A_79 {strides = array<i32>} : memref<2000x12xf32, #tpu.memory_space<vmem>>, vector<2000x12xf32>,
    return
  }
  func.func @transform_0(%arg0: i32) -> (i32, i32, i32) {
    %c0_i32 = arith.constant 0 : i32
    %c0_i32_0 = arith.constant 0 : i32
    %c0_i32_1 = arith.constant 0 : i32
    return %c0_i32, %arg0, %c0_i32_0 : i32, i32, i32
  }
  func.func @transform_1(%arg0: i32) -> (i32, i32) {
    %c0_i32 = arith.constant 0 : i32
    %c0_i32_0 = arith.constant 0 : i32
    return %arg0, %c0_i32 : i32, i32
  }
  func.func @transform_2(%arg0: i32) -> (i32, i32) {
    %c0_i32 = arith.constant 0 : i32
    %c0_i32_0 = arith.constant 0 : i32
    return %arg0, %c0_i32 : i32, i32
  }
  func.func @transform_3(%arg0: i32) -> (i32, i32) {
    %c0_i32 = arith.constant 0 : i32
    %c0_i32_0 = arith.constant 0 : i32
    return %arg0, %c0_i32 : i32, i32
  }
  func.func @transform_4(%arg0: i32) -> (i32, i32) {
    %c0_i32 = arith.constant 0 : i32
    %c0_i32_0 = arith.constant 0 : i32
    return %arg0, %c0_i32 : i32, i32
  }
  func.func @transform_5(%arg0: i32) -> (i32, i32) {
    %c0_i32 = arith.constant 0 : i32
    %c0_i32_0 = arith.constant 0 : i32
    %c0_i32_1 = arith.constant 0 : i32
    return %c0_i32, %c0_i32_0 : i32, i32
  }
  func.func @transform_6(%arg0: i32) -> (i32, i32) {
    %c0_i32 = arith.constant 0 : i32
    %c0_i32_0 = arith.constant 0 : i32
    %c0_i32_1 = arith.constant 0 : i32
    return %c0_i32, %c0_i32_0 : i32, i32
  }
  func.func @transform_7(%arg0: i32) -> (i32, i32) {
    %c0_i32 = arith.constant 0 : i32
    %c0_i32_0 = arith.constant 0 : i32
    %c0_i32_1 = arith.constant 0 : i32
    return %c0_i32, %c0_i32_0 : i32, i32
  }
  func.func @transform_8(%arg0: i32) -> (i32, i32) {
    %c0_i32 = arith.constant 0 : i32
    %c0_i32_0 = arith.constant 0 : i32
    %c0_i32_1 = arith.constant 0 : i32
    return %c0_i32, %c0_i32_0 : i32, i32
  }
  func.func @transform_9(%arg0: i32) -> (i32, i32) {
    %c0_i32 = arith.constant 0 : i32
    %c0_i32_0 = arith.constant 0 : i32
    %c0_i32_1 = arith.constant 0 : i32
    return %c0_i32, %c0_i32_0 : i32, i32
  }
  func.func @transform_10(%arg0: i32) -> (i32, i32) {
    %c0_i32 = arith.constant 0 : i32
    %c0_i32_0 = arith.constant 0 : i32
    %c0_i32_1 = arith.constant 0 : i32
    return %c0_i32, %c0_i32_0 : i32, i32
  }
  func.func @transform_11(%arg0: i32) -> (i32, i32) {
    %c0_i32 = arith.constant 0 : i32
    %c0_i32_0 = arith.constant 0 : i32
    %c0_i32_1 = arith.constant 0 : i32
    return %c0_i32, %c0_i32_0 : i32, i32
  }
  func.func @transform_12(%arg0: i32) -> (i32, i32) {
    %c0_i32 = arith.constant 0 : i32
    %c0_i32_0 = arith.constant 0 : i32
    %c0_i32_1 = arith.constant 0 : i32
    return %c0_i32, %c0_i32_0 : i32, i32
  }
  func.func @transform_13(%arg0: i32) -> (i32, i32) {
    %c0_i32 = arith.constant 0 : i32
    %c0_i32_0 = arith.constant 0 : i32
    %c0_i32_1 = arith.constant 0 : i32
    return %c0_i32, %c0_i32_0 : i32, i32
  }
  func.func @transform_14(%arg0: i32) -> (i32, i32) {
    %c0_i32 = arith.constant 0 : i32
    %c0_i32_0 = arith.constant 0 : i32
    return %arg0, %c0_i32 : i32, i32
  }
}

</mosaic_0001>

<sc_bundles>
// kernel: kernel.10.cloned.1.call-start
scs
__scs_entry_jumppad:
0x0: {  	(pc) =	sbr.rel $0x88, $3  }
0x1: {  	(tag) =	ssettag $0x0;
	lr =	simm.s32 $0x1  }
0x2: {  	[smem:$0x3F8E] =	sst lr;
	_ =	strace $0xD0000000  }
0x3: {  	_ = 	snop  }
0x4: {  	_ = 	snop  }
0x5: {  	_ = 	snop  }
0x6: {  	_ = 	snop  }
0x7: {  	_ = 	snop  }
__scs_overlays_trampoline_lowered:
0x8: {  	[smem:$0x3F9D] =	sst s0  }
0x9: {  	[smem:$0x3F9E] =	sst s1  }
0xa: {  	[smem:$0x3F9F] =	sst s2  }
0xb: {  	[smem:$0x3FA0] =	sst s3  }
0xc: {  	[smem:$0x3FA1] =	sst s4  }
0xd: {  	[smem:$0x3FA2] =	sst s5  }
0xe: {  	[smem:$0x3FA3] =	sst s6  }
0xf: {  	[smem:$0x3FA4] =	sst s7  }
0x10: {  	[smem:$0x3FA5] =	sst s8  }
0x11: {  	[smem:$0x3FA6] =	sst s9;
	s0 =	simm.s32 @!p0 $0x0  }
0x12: {  	s1 =	sld [smem:$0x3F8C];
	s0 =	simm.s32 @p0 $0x1  }
0x13: {  	[smem:$0x3FA7] =	sst s0;
	s0 =	simm.s32 @!p1 $0x0  }
0x14: {  	s2 =	sld [smem:$0x3F8B];
	s0 =	simm.s32 @p1 $0x1  }
0x15: {  	[smem:$0x3FA8] =	sst s0;
	s0 =	simm.s32 @!p2 $0x0  }
0x16: {  	s3 =	sld [smem:$0x3FDB];
	s0 =	simm.s32 @p2 $0x1  }
0x17: {  	s4 =	simm.s32 $0x1BF5;
	[smem:$0x3FAA] =	sst s0  }
0x18: {  	s0 =	sld [smem:$0x3F8D];
	_ =	swait.ge [sflag:s4], $0x0  }
0x19: {  	s7 =	sld [smem:$0x3F8E]  }
0x1a: {  	s8 =	sadd.s32 $0xFFFFE003, lr  }
0x1b: {  	s9 =	sadd.s32 $0xFFFFFEF7, lr;
	s5 =	simm.s32 $0xFFFFFFFF;
	p2 =	slt.u32 s8, $0xFFFFF086  }
0x1c: {  	p1 =	slt.u32 s9, $0xF7A;
	s5 =	simm.s32 @!p2 $0x0  }
0x1d: {  	s5 =	simm.s32 @p1 $0x1;
	p0 =	seq.s32 s7, s2  }
0x1e: {  	s7 =	smul.u32 @!p0 $0xF7A, s2;
	p2 =	seq.s32 @!p0 s5, $0x0  }
0x1f: {  	s9 =	smul.u32 $0xF7A, s1;
	s8 =	simm.s32 @!p0 $0x1BF5;
	p2 =	por !p2, p0  }
0x20: {  	[sflag:s8] =	ssyncset.s32 @!p0 $0xFFFFF086;
	s6 =	sadd.s32 @!p0 s3, s7;
	s7 =	simm.s32 @!p0 $0x108  }
0x21: {  	s3 =	sadd.s32 s3, s9;
	s6 =	sadd.s32 @!p0 $0x88, s6;
	s7 =	simm.s32 @p2 $0x1082  }
0x22: {  	[simem:s7], [sflag:s8] =	dma.local @!p0 [hbm:s6], $0xF7A  }
0x23: {  	s9 =	sor.u32 $0xD0000000, s2;
	s6 =	simm.s32 $0x108;
	_ =	swait.ge @!p0 [sflag:s8], $0x0  }
0x24: {  	s3 =	sadd.s32 $0x88, s3;
	s6 =	simm.s32 @!p1 $0x1082;
	[sflag:s4] =	ssyncset.s32 $0xFFFFF086  }
0x25: {  	[simem:s6], [sflag:s4] =	dma.local [hbm:s3], $0xF7A  }
0x26: {  	[smem:$0x3F8E] =	sst s1;
	(tag) =	ssettag s2;
	_ =	strace s9  }
0x27: {  	s1 =	sld [smem:$0x3F9E]  }
0x28: {  	s2 =	sld [smem:$0x3F9F]  }
0x29: {  	s4 =	sld [smem:$0x3FA1]  }
0x2a: {  	p0 =	seq.s32 s5, $0x0;
	s5 =	sld [smem:$0x3FA2]  }
0x2b: {  	s6 =	sld [smem:$0x3FA3]  }
0x2c: {  	s7 =	sld [smem:$0x3FA4]  }
0x2d: {  	s3 =	simm.s32 $0x108;
	s8 =	sld [smem:$0x3FA5]  }
0x2e: {  	s3 =	simm.s32 @!p0 $0x1082;
	s9 =	sld [smem:$0x3FA6]  }
0x2f: {  	lr =	sadd.s32 s0, s3;
	s0 =	sld [smem:$0x3F9D]  }
0x30: {  	s3 =	sld [smem:$0x3FA0]  }
0x31: {  	[smem:$0x3FA9] =	sst s10  }
0x32: {  	s10 =	sld [smem:$0x3FA7];
	_ =	sdelay $0x3  }
0x33: {  	p0 =	seq.s32 s10, $0x1;
	s10 =	sld [smem:$0x3FA9];
	_ =	sdelay $0x3  }
0x34: {  	[smem:$0x3FA9] =	sst s10  }
0x35: {  	s10 =	sld [smem:$0x3FA8];
	_ =	sdelay $0x3  }
0x36: {  	p1 =	seq.s32 s10, $0x1;
	s10 =	sld [smem:$0x3FA9];
	_ =	sdelay $0x3  }
0x37: {  	[smem:$0x3FA9] =	sst s10  }
0x38: {  	s10 =	sld [smem:$0x3FAA]  }
0x39: {  	_ = 	snop;
	(pc) =	sbr.ind lr, $3  }
0x3a: {  	_ = 	snop  }
0x3b: {  	_ = 	snop  }
0x3c: {  	p2 =	seq.s32 s10, $0x1;
	s10 =	sld [smem:$0x3FA9]  }
0x3d: {  	_ =	shalt  }
0x3e: {  	_ =	shalt  }
0x3f: {  	_ =	shalt  }
0x40: {  	_ =	shalt  }
0x41: {  	_ =	shalt  }
0x42: {  	_ =	shalt  }
0x43: {  	_ =	shalt  }
0x44: {  	_ =	shalt  }
0x45: {  	_ =	shalt  }
0x46: {  	_ =	shalt  }
0x47: {  	_ =	shalt  }
0x48: {  	_ =	shalt  }
0x49: {  	_ =	shalt  }
0x4a: {  	_ =	shalt  }
0x4b: {  	_ =	shalt  }
0x4c: {  	_ =	shalt  }
0x4d: {  	_ =	shalt  }
0x4e: {  	_ =	shalt  }
0x4f: {  	_ =	shalt  }
0x50: {  	_ =	shalt  }
0x51: {  	_ =	shalt  }
0x52: {  	_ =	shalt  }
0x53: {  	_ =	shalt  }
0x54: {  	_ =	shalt  }
0x55: {  	_ =	shalt  }
0x56: {  	_ =	shalt  }
0x57: {  	_ =	shalt  }
0x58: {  	_ =	shalt  }
0x59: {  	_ =	shalt  }
0x5a: {  	_ =	shalt  }
0x5b: {  	_ =	shalt  }
0x5c: {  	_ =	shalt  }
0x5d: {  	_ =	shalt  }
0x5e: {  	_ =	shalt  }
0x5f: {  	_ =	shalt  }
0x60: {  	_ =	shalt  }
0x61: {  	_ =	shalt  }
0x62: {  	_ =	shalt  }
0x63: {  	_ =	shalt  }
0x64: {  	_ =	shalt  }
0x65: {  	_ =	shalt  }
0x66: {  	_ =	shalt  }
0x67: {  	_ =	shalt  }
0x68: {  	_ =	shalt  }
0x69: {  	_ =	shalt  }
0x6a: {  	_ =	shalt  }
0x6b: {  	_ =	shalt  }
0x6c: {  	_ =	shalt  }
0x6d: {  	_ =	shalt  }
0x6e: {  	_ =	shalt  }
0x6f: {  	_ =	shalt  }
0x70: {  	_ =	shalt  }
0x71: {  	_ =	shalt  }
0x72: {  	_ =	shalt  }
0x73: {  	_ =	shalt  }
0x74: {  	_ =	shalt  }
0x75: {  	_ =	shalt  }
0x76: {  	_ =	shalt  }
0x77: {  	_ =	shalt  }
0x78: {  	_ =	shalt  }
0x79: {  	_ =	shalt  }
0x7a: {  	_ =	shalt  }
0x7b: {  	_ =	shalt  }
0x7c: {  	_ =	shalt  }
0x7d: {  	_ =	shalt  }
0x7e: {  	_ =	shalt  }
0x7f: {  	_ =	shalt  }
0x80: {  	_ =	shalt  }
0x81: {  	_ =	shalt  }
0x82: {  	_ =	shalt  }
0x83: {  	_ =	shalt  }
0x84: {  	_ =	shalt  }
0x85: {  	_ =	shalt  }
0x86: {  	_ =	shalt  }
0x87: {  	_ =	shalt  }
.Lfunc_end0:
.L_simem_size_0:
called_computation_lowered:
.L_overlay_start_0:
0x88: {  	s2 =	sld [smem:$0x3FD9]  }
0x89: {  	s3 =	sld [smem:$0x3FFE];
	_ =	sdelay $0x1  }
0x8a: {  	s1 =	srdreg.scid  }
0x8b: {  	s0 =	sand.u32 $0x1, s1  }
0x8c: {  	s17 =	sshll.u32 s0, $0xA;
	s2 =	sadd.s32 s3, s2  }
0x8d: {  	s2 =	sadd.s32 s2, s17  }
0x8e: {  	[smem:$0x3FB5] =	sst s2  }
0x8f: {  	_ = 	snop  }
0x90: {  	s2 =	sld [smem:$0x3FD0];
	(tm) =	ssettm $0x1  }
0x91: {  	s18 =	sld [smem:$0x3FFB];
	_ =	sdelay $0x3  }
0x92: {  	_ =	strace s18  }
0x93: {  	s3 =	sld [smem:$0x3FFC];
	_ =	sdelay $0x3  }
0x94: {  	_ =	strace s3  }
0x95: {  	s3 =	sld [smem:$0x3FFD];
	_ =	sdelay $0x3  }
0x96: {  	_ =	strace s3  }
0x97: {  	_ =	strace $0x8FFFFFFF  }
0x98: {  	s19 =	sld [smem:$0x3FDB];
	_ =	sdelay $0x1  }
0x99: {  	s4 =	simm.s32 $_scs_section_size  }
0x9a: {  	s5 =	simm.s32 $_size__tile_overlayer_lowered;
	s6 =	simm.s32 $_tile_overlayer_lowered  }
0x9b: {  	s22 =	simm.s32 $0x1BFF;
	s21 =	sshll.u32 s6, $0x1;
	s3 =	sadd.s32 s4, s19  }
0x9c: {  	s7 =	simm.s32 $0x0;
	s20 =	sshll.u32 s5, $0x1;
	s5 =	sadd.s32 s21, s3  }
0x9d: {  	[timem:s7], [sflag:s22] =	dma.local [hbm:s5], s20  }
0x9e: {  	_ =	swait.ge [sflag:s22], s20  }
0x9f: {  	s4 =	ssub.s32 $0x0, s20;
	[sflag:s22] =	ssyncset.done $0x0  }
0xa0: {  	[sflag:s22] =	ssyncadd.s32 s4;
	_ =	sdelay $0x1  }
0xa1: {  	s23 =	simm.s32 $0x1B8B  }
0xa2: {  	_ =	swait.ge [sflag:s23], $0x1  }
0xa3: {  	[sflag:s23] =	ssyncset.done $0x0  }
0xa4: {  	s25 =	simm.s32 $0x1B8E;
	s24 =	sld [smem:$0x3FFE];
	[sflag:s23] =	ssyncadd.s32 $0xFFFFFFFF  }
0xa5: {  	s26 =	simm.s32 $execute0_lowered;
	[smem:$0x3FD2] =	sst s25  }
0xa6: {  	s5 =	sshll.u32 s26, $0x1;
	_ =	strace $0x80000046;
	[dreg:$0x1] =	wrdreg $0xFFFFFFFF  }
0xa7: {  	s28 =	simm.s32 $_size_execute0_lowered;
	s3 =	sadd.s32 s3, s5;
	[dreg:$0x0] =	wrdreg $0x0  }
0xa8: {  	s5 =	sshll.u32 s28, $0x1;
	[dreg:$0x2] =	wrdreg s3  }
0xa9: {  	[dreg:$0x3] =	wrdreg s5  }
0xaa: {  	[dreg:$0x4] =	wrdreg $0xC0  }
0xab: {  	_ =	task [dreg:s7], $0x5FFFF  }
0xac: {  	[dreg:$0x1] =	wrdreg $0xFFFFFFFF  }
0xad: {  	[dreg:$0x0] =	wrdreg $0x60  }
0xae: {  	[dreg:$0x2] =	wrdreg s2  }
0xaf: {  	[dreg:$0x3] =	wrdreg s24  }
0xb0: {  	[dreg:$0x4] =	wrdreg $0x1000  }
0xb1: {  	[dreg:$0x5] =	wrdreg $0x9  }
0xb2: {  	_ =	task.clear_ibuf [dreg:s7], $0x6FFFF;
	_ =	strace $0x90000046  }
0xb3: {  	s29 =	simm.s32 $0x9;
	_ =	strace $0x80000048  }
0xb4: {  	_ =	swait.ge [sflag:s29], $0x1  }
0xb5: {  	[sflag:s29] =	ssyncadd.s32 $0xFFFFFFFF  }
0xb6: {  	_ =	strace $0x90000048  }
0xb7: {  	_ =	sfence  }
0xb8: {  	s30 =	sld [smem:$0x0];
	_ =	sdelay $0x2  }
0xb9: {  	s31 =	sshll.u32 s1, $0xD;
	s1 =	sshrl.u32 s1, $0x2  }
0xba: {  	s3 =	sand.u32 $0x4000, s31;
	s1 =	sadd.s32 s1, s30  }
0xbb: {  	s0 =	sor.u32 s3, s0;
	s1 =	sshll.u32 s1, $0x11  }
0xbc: {  	s0 =	sor.u32 s1, s0  }
0xbd: {  	s0 =	sadd.s32 $0x8F2B, s0  }
0xbe: {  	[sflag:s0] =	ssyncadd.remote.s32 $0x1  }
0xbf: {  	_ =	sfence.sel $0xFFFF  }
0xc0: {  	[dreg:$0x0] =	wrdreg $0xFFFFFFFF;
	(pc) =	sbr.abs _section_cstart, $3  }
0xc1: {  	[dreg:$0x1] =	wrdreg $0xFFFFFFFF  }
0xc2: {  	_ =	task.clear_ibuf [dreg:s7], $0x2FFFF;
	_ =	strace $0x9FFFFFFF  }
0xc3: {  	(tm) =	ssettm $0x7FFFFFFF  }
tec
execute0_lowered:
.L_overlay_start_1:
0x0: {  	(tag) =	ssettag $0x1  }
0x1: {  	s1 =	srdreg.scid  }
0x2: {  	s1 =	sand.u32 $0x1, s1  }
0x3: {  	p0 =	seq.s32 s1, $0x1  }
.Ltmp0:
0x4: {  	s8 =	rddreg [dreg:$0x0];
	(pc) =	sbr.rel @p0 .LBB2_6-.Ltmp0, $4  }
0x5: {  	s5 =	rddreg [dreg:$0x1]  }
0x6: {  	s2 =	rddreg [dreg:$0x2];
	s6 =	simm.s32 $0x0  }
0x7: {  	[smem:$0x7FF] =	sst s6  }
0x8: {  	s0 =	rddreg [dreg:$0x3];
	_ =	strace $0x80000047;
	s1 =	stileid.u32  }
0x9: {  	s3 =	smul.u32 $0x280, s1  }
0xa: {  	s4 =	sadd.s32 $0xE600, s5;
	s29 =	sshll.u32 s1, $0x6  }
0xb: {  	s9 =	sshrl.u32 s3, $0x3;
	s7 =	sadd.s32 s3, s2;
	s3 =	sor.u32 $0x1C01, s29  }
0xc: {  	s10 =	sadd.s32 s4, s9;
	s4 =	sshrl.u32 s7, $0x3;
	s7 =	simm.s32 $0x1  }
0xd: {  	[spmem:s4], [sflag:s3] =	dma.local [hbm:s10], $0x50  }
0xe: {  	_ =	swait.ge [sflag:s7], $0x50  }
0xf: {  	[sflag:s7] =	ssyncset.done $0x0  }
0x10: {  	v0 =	vimm.f32 $1.000000000e+00;
	[sflag:s7] =	ssyncadd.s32 $0xFFFFFFB0  }
0x11: {  	[tilespmem:$0x80] =	vst v0  }
0x12: {  	[tilespmem:$0x90] =	vst v0  }
0x13: {  	[tilespmem:$0xA0] =	vst v0  }
0x14: {  	[tilespmem:$0xB0] =	vst v0  }
0x15: {  	[tilespmem:$0xC0] =	vst v0  }
0x16: {  	s30 =	smul.u32 $0x4F0, s1;
	[tilespmem:$0xD0] =	vst v0  }
0x17: {  	[tilespmem:$0xE0] =	vst v0  }
0x18: {  	s8 =	sadd.s32 s30, s8;
	[tilespmem:$0xF0] =	vst v0  }
0x19: {  	s10 =	sadd.s32 $0x0, s8;
	[bflag:$0x0] =	sbarrier.arrive $0xFFFF  }
0x1a: {  	[tilespmem:s6], [sflag:$0x1] =	stream.linear.gather [hbm4b:s10+s6], $0x80, $0x38;
	[tilespmem:$0x380] =	vst v63  }
0x1b: {  	_ =	swait.ge [sflag:s7], $0x80  }
0x1c: {  	[sflag:s7] =	ssyncset.done $0x0  }
0x1d: {  	s31 =	sadd.s32 s9, s5;
	s9 =	simm.s32 $0x80;
	[sflag:s7] =	ssyncadd.s32 $0xFFFFFF80  }
0x1e: {  	[spmem:s2] =	stream.indirect.scatter.add.f32 [tilespmem:s9], [sflag:$0x1], $0x1, s6, s9, $0xb8;
	[tilespmem:$0x380] =	vst v63  }
0x1f: {  	s11 =	simm.s32 $0x20;
	_ =	swait.ge [sflag:s7], $0x80  }
0x20: {  	s5 =	sadd.s32 $0xEC00, s31;
	s10 =	simm.s32 $0x10;
	[sflag:s7] =	ssyncset.done $0x0  }
.LBB2_2:
0x21: {  	s12 =	sadd.s32 s10, s8  }
0x22: {  	[sflag:s7] =	ssyncadd.s32 $0xFFFFFF80;
	s10 =	smov.u32 s11;
	s13 =	sadd.s32 $0x10, s11  }
0x23: {  	[tilespmem:s6], [sflag:$0x1] =	stream.linear.gather [hbm4b:s12+s6], $0x80, $0x38;
	[tilespmem:$0x380] =	vst v63  }
0x24: {  	p0 =	sne.s32 s11, $0x4E0;
	_ =	swait.ge [sflag:s7], $0x80  }
.Ltmp1:
0x25: {  	[sflag:s7] =	ssyncset.done $0x0;
	(pc) =	sbr.rel @p0 .LBB2_2-.Ltmp1, $4  }
0x26: {  	[sflag:s7] =	ssyncadd.s32 $0xFFFFFF80  }
0x27: {  	[spmem:s2] =	stream.indirect.scatter.add.f32 [tilespmem:s9], [sflag:$0x1], $0x1, s6, s9, $0xb8;
	[tilespmem:$0x380] =	vst v63  }
0x28: {  	_ =	swait.ge [sflag:s7], $0x80  }
0x29: {  	s11 =	smov.u32 s13;
	[sflag:s7] =	ssyncset.done $0x0  }
0x2a: {  	s10 =	sadd.s32 s10, s8;
	[sflag:s7] =	ssyncadd.s32 $0xFFFFFF80  }
0x2b: {  	[tilespmem:s6], [sflag:$0x1] =	stream.linear.gather [hbm4b:s10+s6], $0x80, $0x38;
	[tilespmem:$0x380] =	vst v63  }
0x2c: {  	_ =	swait.ge [sflag:s7], $0x80  }
0x2d: {  	[sflag:s7] =	ssyncset.done $0x0  }
0x2e: {  	[sflag:s7] =	ssyncadd.s32 $0xFFFFFF80  }
0x2f: {  	[spmem:s2] =	stream.indirect.scatter.add.f32 [tilespmem:s9], [sflag:$0x1], $0x1, s6, s9, $0xb8;
	[tilespmem:$0x380] =	vst v63  }
0x30: {  	s8 =	sadd.s32 $0x4F00, s8;
	_ =	swait.ge [sflag:s7], $0x80  }
0x31: {  	s31 =	sadd.s32 $0x0, s8;
	[sflag:s7] =	ssyncset.done $0x0  }
0x32: {  	s6 =	simm.s32 $0x1;
	[sflag:s7] =	ssyncadd.s32 $0xFFFFFF80;
	s7 =	simm.s32 $0x0  }
0x33: {  	[tilespmem:s7], [sflag:$0x1] =	stream.linear.gather [hbm4b:s31+s7], $0x80, $0x38;
	[tilespmem:$0x380] =	vst v63  }
0x34: {  	_ =	swait.ge [sflag:s6], $0x80  }
0x35: {  	[sflag:s6] =	ssyncset.done $0x0  }
0x36: {  	s9 =	simm.s32 $0x80;
	[sflag:s6] =	ssyncadd.s32 $0xFFFFFF80  }
0x37: {  	[spmem:s2] =	stream.indirect.scatter.add.f32 [tilespmem:s9], [sflag:$0x1], $0x1, s7, s9, $0xb8;
	[tilespmem:$0x380] =	vst v63  }
0x38: {  	_ =	swait.ge [sflag:s6], $0x80  }
0x39: {  	s11 =	simm.s32 $0x20;
	s10 =	simm.s32 $0x10;
	[sflag:s6] =	ssyncset.done $0x0  }
.LBB2_4:
0x3a: {  	s12 =	sadd.s32 s10, s8  }
0x3b: {  	[sflag:s6] =	ssyncadd.s32 $0xFFFFFF80;
	s10 =	smov.u32 s11;
	s13 =	sadd.s32 $0x10, s11  }
0x3c: {  	[tilespmem:s7], [sflag:$0x1] =	stream.linear.gather [hbm4b:s12+s7], $0x80, $0x38;
	[tilespmem:$0x380] =	vst v63  }
0x3d: {  	p0 =	sne.s32 s11, $0x4E0;
	_ =	swait.ge [sflag:s6], $0x80  }
.Ltmp2:
0x3e: {  	[sflag:s6] =	ssyncset.done $0x0;
	(pc) =	sbr.rel @p0 .LBB2_4-.Ltmp2, $4  }
0x3f: {  	[sflag:s6] =	ssyncadd.s32 $0xFFFFFF80  }
0x40: {  	[spmem:s2] =	stream.indirect.scatter.add.f32 [tilespmem:s9], [sflag:$0x1], $0x1, s7, s9, $0xb8;
	[tilespmem:$0x380] =	vst v63  }
0x41: {  	_ =	swait.ge [sflag:s6], $0x80  }
0x42: {  	s11 =	smov.u32 s13;
	[sflag:s6] =	ssyncset.done $0x0  }
0x43: {  	s8 =	sadd.s32 s10, s8;
	[sflag:s6] =	ssyncadd.s32 $0xFFFFFF80  }
0x44: {  	[tilespmem:s7], [sflag:$0x1] =	stream.linear.gather [hbm4b:s8+s7], $0x80, $0x38;
	[tilespmem:$0x380] =	vst v63  }
0x45: {  	_ =	swait.ge [sflag:s6], $0x80  }
0x46: {  	[sflag:s6] =	ssyncset.done $0x0  }
0x47: {  	[sflag:s6] =	ssyncadd.s32 $0xFFFFFF80  }
0x48: {  	[spmem:s2] =	stream.indirect.scatter.add.f32 [tilespmem:s9], [sflag:$0x1], $0x1, s7, s9, $0xb8;
	[tilespmem:$0x380] =	vst v63  }
0x49: {  	_ =	swait.ge [sflag:s6], $0x80  }
0x4a: {  	[sflag:s6] =	ssyncset.done $0x0  }
0x4b: {  	[sflag:s6] =	ssyncadd.s32 $0xFFFFFF80  }
0x4c: {  	s31 =	simm.s32 $0x1;
	[bflag:$0x0] =	sbarrier.arrive $0xFFFF  }
0x4d: {  	[hbm:s5], [sflag:s3] =	dma.local [spmem:s4], $0x50  }
0x4e: {  	_ =	swait.ge [sflag:s31], $0x50  }
0x4f: {  	[sflag:s31] =	ssyncset.done $0x0  }
0x50: {  	[sflag:s31] =	ssyncadd.s32 $0xFFFFFFB0  }
.LBB2_6:
0x51: {  	_ =	sfence.sel $0x180000  }
0x52: {  	[bflag:$0x0] =	sbarrier.arrive $0xFFFF  }
0x53: {  	p0 =	sne.s32 s1, $0x0;
	_ =	strace $0x90000047  }
0x54: {  	s0 =	sadd.s32 @!p0 $0x100000, s0;
	[bflag:$0x2] =	sbarrier.arrive $0xFFFF  }
0x55: {  	[sflag:s0] =	ssyncadd.tile.s32 @!p0 $0x1;
	_ =	shalt  }
.Lfunc_end2:
_tile_overlayer_lowered:
.L_overlay_start_2:
0x56: {  	(tag) =	ssettag $0x2  }
0x57: {  	s0 =	rddreg [dreg:$0x0];
	s2 =	stileid.u32  }
0x58: {  	s1 =	rddreg [dreg:$0x1];
	p0 =	sne.s32 s2, $0x0  }
0x59: {  	s3 =	rddreg [dreg:$0x2];
	[bflag:$0x3] =	sbarrier.arrive $0xFFFF;
	s2 =	simm.s32 @!p0 $0x1C01  }
0x5a: {  	[timem:s3], [sflag:s2] =	dma.local @!p0 [hbm:s0], s1  }
0x5b: {  	s0 =	simm.s32 @!p0 $0x1  }
0x5c: {  	_ =	swait.ge @!p0 [sflag:s0], s1  }
0x5d: {  	s1 =	ssub.s32 @!p0 $0x0, s1;
	[sflag:s0] =	ssyncset.done @!p0 $0x0  }
0x5e: {  	[sflag:s0] =	ssyncadd.s32 @!p0 s1  }
0x5f: {  	[bflag:$0x3] =	sbarrier.arrive $0xFFFF  }
0x60: {  	_ =	shalt  }

// kernel: kernel.13.cloned.1.call-start
scs
__scs_entry_jumppad:
0x0: {  	(pc) =	sbr.rel $0x88, $3  }
0x1: {  	(tag) =	ssettag $0x0;
	lr =	simm.s32 $0x1  }
0x2: {  	[smem:$0x3F8E] =	sst lr;
	_ =	strace $0xD0000000  }
0x3: {  	_ = 	snop  }
0x4: {  	_ = 	snop  }
0x5: {  	_ = 	snop  }
0x6: {  	_ = 	snop  }
0x7: {  	_ = 	snop  }
__scs_overlays_trampoline_lowered:
0x8: {  	[smem:$0x3F9D] =	sst s0  }
0x9: {  	[smem:$0x3F9E] =	sst s1  }
0xa: {  	[smem:$0x3F9F] =	sst s2  }
0xb: {  	[smem:$0x3FA0] =	sst s3  }
0xc: {  	[smem:$0x3FA1] =	sst s4  }
0xd: {  	[smem:$0x3FA2] =	sst s5  }
0xe: {  	[smem:$0x3FA3] =	sst s6  }
0xf: {  	[smem:$0x3FA4] =	sst s7  }
0x10: {  	[smem:$0x3FA5] =	sst s8  }
0x11: {  	[smem:$0x3FA6] =	sst s9;
	s0 =	simm.s32 @!p0 $0x0  }
0x12: {  	s1 =	sld [smem:$0x3F8C];
	s0 =	simm.s32 @p0 $0x1  }
0x13: {  	[smem:$0x3FA7] =	sst s0;
	s0 =	simm.s32 @!p1 $0x0  }
0x14: {  	s2 =	sld [smem:$0x3F8B];
	s0 =	simm.s32 @p1 $0x1  }
0x15: {  	[smem:$0x3FA8] =	sst s0;
	s0 =	simm.s32 @!p2 $0x0  }
0x16: {  	s3 =	sld [smem:$0x3FDB];
	s0 =	simm.s32 @p2 $0x1  }
0x17: {  	s4 =	simm.s32 $0x1BF5;
	[smem:$0x3FAA] =	sst s0  }
0x18: {  	s0 =	sld [smem:$0x3F8D];
	_ =	swait.ge [sflag:s4], $0x0  }
0x19: {  	s7 =	sld [smem:$0x3F8E]  }
0x1a: {  	s8 =	sadd.s32 $0xFFFFE003, lr  }
0x1b: {  	s9 =	sadd.s32 $0xFFFFFEF7, lr;
	s5 =	simm.s32 $0xFFFFFFFF;
	p2 =	slt.u32 s8, $0xFFFFF086  }
0x1c: {  	p1 =	slt.u32 s9, $0xF7A;
	s5 =	simm.s32 @!p2 $0x0  }
0x1d: {  	s5 =	simm.s32 @p1 $0x1;
	p0 =	seq.s32 s7, s2  }
0x1e: {  	s7 =	smul.u32 @!p0 $0xF7A, s2;
	p2 =	seq.s32 @!p0 s5, $0x0  }
0x1f: {  	s9 =	smul.u32 $0xF7A, s1;
	s8 =	simm.s32 @!p0 $0x1BF5;
	p2 =	por !p2, p0  }
0x20: {  	[sflag:s8] =	ssyncset.s32 @!p0 $0xFFFFF086;
	s6 =	sadd.s32 @!p0 s3, s7;
	s7 =	simm.s32 @!p0 $0x108  }
0x21: {  	s3 =	sadd.s32 s3, s9;
	s6 =	sadd.s32 @!p0 $0x88, s6;
	s7 =	simm.s32 @p2 $0x1082  }
0x22: {  	[simem:s7], [sflag:s8] =	dma.local @!p0 [hbm:s6], $0xF7A  }
0x23: {  	s9 =	sor.u32 $0xD0000000, s2;
	s6 =	simm.s32 $0x108;
	_ =	swait.ge @!p0 [sflag:s8], $0x0  }
0x24: {  	s3 =	sadd.s32 $0x88, s3;
	s6 =	simm.s32 @!p1 $0x1082;
	[sflag:s4] =	ssyncset.s32 $0xFFFFF086  }
0x25: {  	[simem:s6], [sflag:s4] =	dma.local [hbm:s3], $0xF7A  }
0x26: {  	[smem:$0x3F8E] =	sst s1;
	(tag) =	ssettag s2;
	_ =	strace s9  }
0x27: {  	s1 =	sld [smem:$0x3F9E]  }
0x28: {  	s2 =	sld [smem:$0x3F9F]  }
0x29: {  	s4 =	sld [smem:$0x3FA1]  }
0x2a: {  	p0 =	seq.s32 s5, $0x0;
	s5 =	sld [smem:$0x3FA2]  }
0x2b: {  	s6 =	sld [smem:$0x3FA3]  }
0x2c: {  	s7 =	sld [smem:$0x3FA4]  }
0x2d: {  	s3 =	simm.s32 $0x108;
	s8 =	sld [smem:$0x3FA5]  }
0x2e: {  	s3 =	simm.s32 @!p0 $0x1082;
	s9 =	sld [smem:$0x3FA6]  }
0x2f: {  	lr =	sadd.s32 s0, s3;
	s0 =	sld [smem:$0x3F9D]  }
0x30: {  	s3 =	sld [smem:$0x3FA0]  }
0x31: {  	[smem:$0x3FA9] =	sst s10  }
0x32: {  	s10 =	sld [smem:$0x3FA7];
	_ =	sdelay $0x3  }
0x33: {  	p0 =	seq.s32 s10, $0x1;
	s10 =	sld [smem:$0x3FA9];
	_ =	sdelay $0x3  }
0x34: {  	[smem:$0x3FA9] =	sst s10  }
0x35: {  	s10 =	sld [smem:$0x3FA8];
	_ =	sdelay $0x3  }
0x36: {  	p1 =	seq.s32 s10, $0x1;
	s10 =	sld [smem:$0x3FA9];
	_ =	sdelay $0x3  }
0x37: {  	[smem:$0x3FA9] =	sst s10  }
0x38: {  	s10 =	sld [smem:$0x3FAA]  }
0x39: {  	_ = 	snop;
	(pc) =	sbr.ind lr, $3  }
0x3a: {  	_ = 	snop  }
0x3b: {  	_ = 	snop  }
0x3c: {  	p2 =	seq.s32 s10, $0x1;
	s10 =	sld [smem:$0x3FA9]  }
0x3d: {  	_ =	shalt  }
0x3e: {  	_ =	shalt  }
0x3f: {  	_ =	shalt  }
0x40: {  	_ =	shalt  }
0x41: {  	_ =	shalt  }
0x42: {  	_ =	shalt  }
0x43: {  	_ =	shalt  }
0x44: {  	_ =	shalt  }
0x45: {  	_ =	shalt  }
0x46: {  	_ =	shalt  }
0x47: {  	_ =	shalt  }
0x48: {  	_ =	shalt  }
0x49: {  	_ =	shalt  }
0x4a: {  	_ =	shalt  }
0x4b: {  	_ =	shalt  }
0x4c: {  	_ =	shalt  }
0x4d: {  	_ =	shalt  }
0x4e: {  	_ =	shalt  }
0x4f: {  	_ =	shalt  }
0x50: {  	_ =	shalt  }
0x51: {  	_ =	shalt  }
0x52: {  	_ =	shalt  }
0x53: {  	_ =	shalt  }
0x54: {  	_ =	shalt  }
0x55: {  	_ =	shalt  }
0x56: {  	_ =	shalt  }
0x57: {  	_ =	shalt  }
0x58: {  	_ =	shalt  }
0x59: {  	_ =	shalt  }
0x5a: {  	_ =	shalt  }
0x5b: {  	_ =	shalt  }
0x5c: {  	_ =	shalt  }
0x5d: {  	_ =	shalt  }
0x5e: {  	_ =	shalt  }
0x5f: {  	_ =	shalt  }
0x60: {  	_ =	shalt  }
0x61: {  	_ =	shalt  }
0x62: {  	_ =	shalt  }
0x63: {  	_ =	shalt  }
0x64: {  	_ =	shalt  }
0x65: {  	_ =	shalt  }
0x66: {  	_ =	shalt  }
0x67: {  	_ =	shalt  }
0x68: {  	_ =	shalt  }
0x69: {  	_ =	shalt  }
0x6a: {  	_ =	shalt  }
0x6b: {  	_ =	shalt  }
0x6c: {  	_ =	shalt  }
0x6d: {  	_ =	shalt  }
0x6e: {  	_ =	shalt  }
0x6f: {  	_ =	shalt  }
0x70: {  	_ =	shalt  }
0x71: {  	_ =	shalt  }
0x72: {  	_ =	shalt  }
0x73: {  	_ =	shalt  }
0x74: {  	_ =	shalt  }
0x75: {  	_ =	shalt  }
0x76: {  	_ =	shalt  }
0x77: {  	_ =	shalt  }
0x78: {  	_ =	shalt  }
0x79: {  	_ =	shalt  }
0x7a: {  	_ =	shalt  }
0x7b: {  	_ =	shalt  }
0x7c: {  	_ =	shalt  }
0x7d: {  	_ =	shalt  }
0x7e: {  	_ =	shalt  }
0x7f: {  	_ =	shalt  }
0x80: {  	_ =	shalt  }
0x81: {  	_ =	shalt  }
0x82: {  	_ =	shalt  }
0x83: {  	_ =	shalt  }
0x84: {  	_ =	shalt  }
0x85: {  	_ =	shalt  }
0x86: {  	_ =	shalt  }
0x87: {  	_ =	shalt  }
.Lfunc_end0:
.L_simem_size_0:
called_computation.1_lowered:
.L_overlay_start_0:
0x88: {  	s2 =	sld [smem:$0x3FD9]  }
0x89: {  	s3 =	sld [smem:$0x3FFE];
	_ =	sdelay $0x1  }
0x8a: {  	s1 =	srdreg.scid  }
0x8b: {  	s0 =	sand.u32 $0x1, s1  }
0x8c: {  	s17 =	sshll.u32 s0, $0xA;
	s2 =	sadd.s32 s3, s2  }
0x8d: {  	s2 =	sadd.s32 s2, s17  }
0x8e: {  	[smem:$0x3FB5] =	sst s2  }
0x8f: {  	_ = 	snop  }
0x90: {  	s2 =	sld [smem:$0x3FD0];
	(tm) =	ssettm $0x1  }
0x91: {  	s18 =	sld [smem:$0x3FFB];
	_ =	sdelay $0x3  }
0x92: {  	_ =	strace s18  }
0x93: {  	s3 =	sld [smem:$0x3FFC];
	_ =	sdelay $0x3  }
0x94: {  	_ =	strace s3  }
0x95: {  	s3 =	sld [smem:$0x3FFD];
	_ =	sdelay $0x3  }
0x96: {  	_ =	strace s3  }
0x97: {  	_ =	strace $0x8FFFFFFF  }
0x98: {  	s19 =	sld [smem:$0x3FDB];
	_ =	sdelay $0x1  }
0x99: {  	s4 =	simm.s32 $_scs_section_size  }
0x9a: {  	s5 =	simm.s32 $_size__tile_overlayer_lowered;
	s6 =	simm.s32 $_tile_overlayer_lowered  }
0x9b: {  	s22 =	simm.s32 $0x1BFF;
	s21 =	sshll.u32 s6, $0x1;
	s3 =	sadd.s32 s4, s19  }
0x9c: {  	s7 =	simm.s32 $0x0;
	s20 =	sshll.u32 s5, $0x1;
	s5 =	sadd.s32 s21, s3  }
0x9d: {  	[timem:s7], [sflag:s22] =	dma.local [hbm:s5], s20  }
0x9e: {  	_ =	swait.ge [sflag:s22], s20  }
0x9f: {  	s4 =	ssub.s32 $0x0, s20;
	[sflag:s22] =	ssyncset.done $0x0  }
0xa0: {  	[sflag:s22] =	ssyncadd.s32 s4;
	_ =	sdelay $0x1  }
0xa1: {  	s23 =	simm.s32 $0x1B8B  }
0xa2: {  	_ =	swait.ge [sflag:s23], $0x1  }
0xa3: {  	[sflag:s23] =	ssyncset.done $0x0  }
0xa4: {  	s25 =	simm.s32 $0x1B8E;
	s24 =	sld [smem:$0x3FFE];
	[sflag:s23] =	ssyncadd.s32 $0xFFFFFFFF  }
0xa5: {  	s26 =	simm.s32 $execute0_lowered;
	[smem:$0x3FD2] =	sst s25  }
0xa6: {  	s5 =	sshll.u32 s26, $0x1;
	_ =	strace $0x80000049;
	[dreg:$0x1] =	wrdreg $0xFFFFFFFF  }
0xa7: {  	s28 =	simm.s32 $_size_execute0_lowered;
	s3 =	sadd.s32 s3, s5;
	[dreg:$0x0] =	wrdreg $0x0  }
0xa8: {  	s5 =	sshll.u32 s28, $0x1;
	[dreg:$0x2] =	wrdreg s3  }
0xa9: {  	[dreg:$0x3] =	wrdreg s5  }
0xaa: {  	[dreg:$0x4] =	wrdreg $0xC0  }
0xab: {  	_ =	task [dreg:s7], $0x5FFFF  }
0xac: {  	[dreg:$0x1] =	wrdreg $0xFFFFFFFF  }
0xad: {  	[dreg:$0x0] =	wrdreg $0x60  }
0xae: {  	[dreg:$0x2] =	wrdreg s24  }
0xaf: {  	[dreg:$0x3] =	wrdreg s2  }
0xb0: {  	[dreg:$0x4] =	wrdreg $0x41000  }
0xb1: {  	[dreg:$0x5] =	wrdreg $0x9  }
0xb2: {  	_ =	task.clear_ibuf [dreg:s7], $0x6FFFF;
	_ =	strace $0x90000049  }
0xb3: {  	s29 =	simm.s32 $0x9;
	_ =	strace $0x8000004B  }
0xb4: {  	_ =	swait.ge [sflag:s29], $0x1  }
0xb5: {  	[sflag:s29] =	ssyncadd.s32 $0xFFFFFFFF  }
0xb6: {  	_ =	strace $0x9000004B  }
0xb7: {  	_ =	sfence  }
0xb8: {  	s30 =	sld [smem:$0x0];
	_ =	sdelay $0x2  }
0xb9: {  	s31 =	sshll.u32 s1, $0xD;
	s1 =	sshrl.u32 s1, $0x2  }
0xba: {  	s3 =	sand.u32 $0x4000, s31;
	s1 =	sadd.s32 s1, s30  }
0xbb: {  	s0 =	sor.u32 s3, s0;
	s1 =	sshll.u32 s1, $0x11  }
0xbc: {  	s0 =	sor.u32 s1, s0  }
0xbd: {  	s0 =	sadd.s32 $0x8F2B, s0  }
0xbe: {  	[sflag:s0] =	ssyncadd.remote.s32 $0x1  }
0xbf: {  	_ =	sfence.sel $0xFFFF  }
0xc0: {  	[dreg:$0x0] =	wrdreg $0xFFFFFFFF;
	(pc) =	sbr.abs _section_cstart, $3  }
0xc1: {  	[dreg:$0x1] =	wrdreg $0xFFFFFFFF  }
0xc2: {  	_ =	task.clear_ibuf [dreg:s7], $0x2FFFF;
	_ =	strace $0x9FFFFFFF  }
0xc3: {  	(tm) =	ssettm $0x7FFFFFFF  }
tec
execute0_lowered:
.L_overlay_start_1:
0x0: {  	(tag) =	ssettag $0x1  }
0x1: {  	s5 =	rddreg [dreg:$0x0]  }
0x2: {  	s8 =	rddreg [dreg:$0x1]  }
0x3: {  	s0 =	srdreg.scid;
	s1 =	stileid.u32  }
0x4: {  	s2 =	rddreg [dreg:$0x2];
	s7 =	smul.u32 $0x14000, s1  }
0x5: {  	s3 =	simm.s32 $0x0;
	s15 =	simm.s32 $0x1;
	s13 =	smul.u32 $0x50000, s1  }
0x6: {  	s6 =	sand.u32 $0x1, s0;
	s0 =	rddreg [dreg:$0x3];
	s31 =	smul.u32 $0x4F0, s1  }
0x7: {  	s16 =	simm.s32 $0x0;
	[smem:$0x7FF] =	sst s3;
	s9 =	smul.u32 $0x4F00, s6  }
0x8: {  	s4 =	sadd.s32 $0x19000, s5;
	s30 =	sshll.u32 s1, $0x6;
	s10 =	smul.u32 $0x140000, s6  }
0x9: {  	_ =	strace $0x8000004A;
	s6 =	ssub.s32 $0x2, s6;
	s12 =	sshrl.u32 s7, $0x3  }
0xa: {  	s28 =	sshrl.u32 s6, $0x1;
	s29 =	sshrl.u32 s13, $0x2;
	s13 =	simm.s32 $0x80  }
0xb: {  	s11 =	sadd.s32 s9, s5;
	s7 =	sadd.s32 s7, s10;
	s12 =	sadd.s32 s12, s5  }
0xc: {  	s10 =	ssub.s32 s6, s28;
	s14 =	sadd.s32 s29, s2;
	s6 =	sor.u32 $0x1C02, s30  }
0xd: {  	s9 =	sadd.s32 s9, s8;
	s7 =	sshrl.u32 s7, $0x3;
	s11 =	sadd.s32 s31, s11  }
0xe: {  	s8 =	smax.u32 s10, $0x1;
	s9 =	sadd.s32 s31, s9;
	s7 =	sadd.s32 s7, s5  }
0xf: {  	s5 =	sadd.s32 $0x8E600, s12;
	s10 =	sadd.s32 $0xF200, s11;
	s11 =	sshrl.u32 s14, $0x3  }
0x10: {  	s12 =	simm.s32 $0x2;
	s14 =	simm.s32 $0x100;
	s7 =	sadd.s32 $0xB6600, s7  }
.LBB2_1:
0x11: {  	[spmem:s11], [sflag:s6] =	dma.local [hbm:s5], $0x2800  }
0x12: {  	_ =	swait.ge [sflag:s12], $0x2800  }
0x13: {  	[sflag:s12] =	ssyncset.done $0x0  }
0x14: {  	[sflag:s12] =	ssyncadd.s32 $0xFFFFD800  }
0x15: {  	s17 =	sadd.s32 $0x0, s10;
	[bflag:$0x0] =	sbarrier.arrive $0xFFFF  }
0x16: {  	[tilespmem:s3], [sflag:$0x2] =	stream.linear.gather [hbm4b:s17+s3], $0x80, $0x38;
	[tilespmem:$0x18100] =	vst v63  }
0x17: {  	_ =	swait.ge [sflag:s12], $0x80  }
0x18: {  	[sflag:s12] =	ssyncset.done $0x0  }
0x19: {  	s31 =	sadd.s32 $0x0, s9;
	[sflag:s12] =	ssyncadd.s32 $0xFFFFFF80  }
0x1a: {  	[tilespmem:s13], [sflag:$0x2] =	stream.linear.gather [hbm4b:s31+s3], $0x80, $0x38;
	[tilespmem:$0x18100] =	vst v63  }
0x1b: {  	_ =	swait.ge [sflag:s12], $0x80  }
0x1c: {  	[sflag:s12] =	ssyncset.done $0x0  }
0x1d: {  	[sflag:s12] =	ssyncadd.s32 $0xFFFFFF80  }
0x1e: {  	[tilespmem:s14], [sflag:$0x1] =	stream.indirect.gather [hbm4b:s4+s13], $0x80, s3, s13, $0xb8;
	[tilespmem:$0x18100] =	vst v63  }
0x1f: {  	_ =	swait.ge [sflag:s15], $0x4000  }
0x20: {  	[sflag:s15] =	ssyncset.done $0x0  }
0x21: {  	[sflag:s15] =	ssyncadd.s32 $0xFFFFC000  }
0x22: {  	[spmem:s2] =	stream.indirect.scatter.add.f32 [tilespmem:s14], [sflag:$0x2], $0x80, s13, s13, $0xb8;
	[tilespmem:$0x18100] =	vst v63  }
0x23: {  	_ =	swait.ge [sflag:s12], $0x4000  }
0x24: {  	s18 =	simm.s32 $0x20;
	s17 =	simm.s32 $0x10;
	[sflag:s12] =	ssyncset.done $0x0  }
.LBB2_2:
0x25: {  	s19 =	sadd.s32 s17, s10  }
0x26: {  	[sflag:s12] =	ssyncadd.s32 $0xFFFFC000;
	s20 =	smov.u32 s18;
	s21 =	sadd.s32 $0x10, s18  }
0x27: {  	[tilespmem:s3], [sflag:$0x2] =	stream.linear.gather [hbm4b:s19+s3], $0x80, $0x38;
	[tilespmem:$0x18100] =	vst v63  }
0x28: {  	p0 =	sne.s32 s18, $0x4E0;
	_ =	swait.ge [sflag:s12], $0x80  }
0x29: {  	[sflag:s12] =	ssyncset.done $0x0  }
0x2a: {  	s18 =	sadd.s32 s17, s9;
	s17 =	smov.u32 s20;
	[sflag:s12] =	ssyncadd.s32 $0xFFFFFF80  }
0x2b: {  	[tilespmem:s13], [sflag:$0x2] =	stream.linear.gather [hbm4b:s18+s3], $0x80, $0x38;
	[tilespmem:$0x18100] =	vst v63  }
0x2c: {  	_ =	swait.ge [sflag:s12], $0x80  }
0x2d: {  	[sflag:s12] =	ssyncset.done $0x0  }
0x2e: {  	[sflag:s12] =	ssyncadd.s32 $0xFFFFFF80  }
0x2f: {  	[tilespmem:s14], [sflag:$0x1] =	stream.indirect.gather [hbm4b:s4+s13], $0x80, s3, s13, $0xb8;
	[tilespmem:$0x18100] =	vst v63  }
0x30: {  	_ =	swait.ge [sflag:s15], $0x4000  }
.Ltmp0:
0x31: {  	[sflag:s15] =	ssyncset.done $0x0;
	(pc) =	sbr.rel @p0 .LBB2_2-.Ltmp0, $4  }
0x32: {  	[sflag:s15] =	ssyncadd.s32 $0xFFFFC000  }
0x33: {  	[spmem:s2] =	stream.indirect.scatter.add.f32 [tilespmem:s14], [sflag:$0x2], $0x80, s13, s13, $0xb8;
	[tilespmem:$0x18100] =	vst v63  }
0x34: {  	_ =	swait.ge [sflag:s12], $0x4000  }
0x35: {  	s18 =	smov.u32 s21;
	[sflag:s12] =	ssyncset.done $0x0  }
0x36: {  	s18 =	sadd.s32 s17, s10;
	[sflag:s12] =	ssyncadd.s32 $0xFFFFC000  }
0x37: {  	[tilespmem:s3], [sflag:$0x2] =	stream.linear.gather [hbm4b:s18+s3], $0x80, $0x38;
	[tilespmem:$0x18100] =	vst v63  }
0x38: {  	_ =	swait.ge [sflag:s12], $0x80  }
0x39: {  	[sflag:s12] =	ssyncset.done $0x0  }
0x3a: {  	s31 =	sadd.s32 s17, s9;
	[sflag:s12] =	ssyncadd.s32 $0xFFFFFF80  }
0x3b: {  	[tilespmem:s13], [sflag:$0x2] =	stream.linear.gather [hbm4b:s31+s3], $0x80, $0x38;
	[tilespmem:$0x18100] =	vst v63  }
0x3c: {  	_ =	swait.ge [sflag:s12], $0x80  }
0x3d: {  	[sflag:s12] =	ssyncset.done $0x0  }
0x3e: {  	[sflag:s12] =	ssyncadd.s32 $0xFFFFFF80  }
0x3f: {  	[tilespmem:s14], [sflag:$0x1] =	stream.indirect.gather [hbm4b:s4+s13], $0x80, s3, s13, $0xb8;
	[tilespmem:$0x18100] =	vst v63  }
0x40: {  	_ =	swait.ge [sflag:s15], $0x4000  }
0x41: {  	[sflag:s15] =	ssyncset.done $0x0  }
0x42: {  	[sflag:s15] =	ssyncadd.s32 $0xFFFFC000  }
0x43: {  	[spmem:s2] =	stream.indirect.scatter.add.f32 [tilespmem:s14], [sflag:$0x2], $0x80, s13, s13, $0xb8;
	[tilespmem:$0x18100] =	vst v63  }
0x44: {  	_ =	swait.ge [sflag:s12], $0x4000  }
0x45: {  	s16 =	sadd.s32 $0x1, s16;
	[sflag:s12] =	ssyncset.done $0x0  }
0x46: {  	p0 =	sne.s32 s16, s8;
	[sflag:s12] =	ssyncadd.s32 $0xFFFFC000  }
.Ltmp1:
0x47: {  	[bflag:$0x0] =	sbarrier.arrive $0xFFFF;
	(pc) =	sbr.rel @p0 .LBB2_1-.Ltmp1, $4  }
0x48: {  	[hbm:s7], [sflag:s6] =	dma.local [spmem:s11], $0x2800  }
0x49: {  	_ =	swait.ge [sflag:s12], $0x2800  }
0x4a: {  	[sflag:s12] =	ssyncset.done $0x0  }
0x4b: {  	[sflag:s12] =	ssyncadd.s32 $0xFFFFD800  }
0x4c: {  	_ =	sfence.sel $0x180000  }
0x4d: {  	[bflag:$0x0] =	sbarrier.arrive $0xFFFF  }
0x4e: {  	p0 =	sne.s32 s1, $0x0;
	_ =	strace $0x9000004A  }
0x4f: {  	s0 =	sadd.s32 @!p0 $0x100000, s0;
	[bflag:$0x2] =	sbarrier.arrive $0xFFFF  }
0x50: {  	[sflag:s0] =	ssyncadd.tile.s32 @!p0 $0x1;
	_ =	shalt  }
.Lfunc_end2:
_tile_overlayer_lowered:
.L_overlay_start_2:
0x51: {  	(tag) =	ssettag $0x2  }
0x52: {  	s0 =	rddreg [dreg:$0x0];
	s2 =	stileid.u32  }
0x53: {  	s1 =	rddreg [dreg:$0x1];
	p0 =	sne.s32 s2, $0x0  }
0x54: {  	s3 =	rddreg [dreg:$0x2];
	[bflag:$0x3] =	sbarrier.arrive $0xFFFF;
	s2 =	simm.s32 @!p0 $0x1C02  }
0x55: {  	[timem:s3], [sflag:s2] =	dma.local @!p0 [hbm:s0], s1  }
0x56: {  	s0 =	simm.s32 @!p0 $0x2  }
0x57: {  	_ =	swait.ge @!p0 [sflag:s0], s1  }
0x58: {  	s1 =	ssub.s32 @!p0 $0x0, s1;
	[sflag:s0] =	ssyncset.done @!p0 $0x0  }
0x59: {  	[sflag:s0] =	ssyncadd.s32 @!p0 s1  }
0x5a: {  	[bflag:$0x3] =	sbarrier.arrive $0xFFFF  }
0x5b: {  	_ =	shalt  }

// kernel: kernel.16.cloned.1.call-start
scs
__scs_entry_jumppad:
0x0: {  	(pc) =	sbr.rel $0x88, $3  }
0x1: {  	(tag) =	ssettag $0x0;
	lr =	simm.s32 $0x1  }
0x2: {  	[smem:$0x3F8E] =	sst lr;
	_ =	strace $0xD0000000  }
0x3: {  	_ = 	snop  }
0x4: {  	_ = 	snop  }
0x5: {  	_ = 	snop  }
0x6: {  	_ = 	snop  }
0x7: {  	_ = 	snop  }
__scs_overlays_trampoline_lowered:
0x8: {  	[smem:$0x3F9D] =	sst s0  }
0x9: {  	[smem:$0x3F9E] =	sst s1  }
0xa: {  	[smem:$0x3F9F] =	sst s2  }
0xb: {  	[smem:$0x3FA0] =	sst s3  }
0xc: {  	[smem:$0x3FA1] =	sst s4  }
0xd: {  	[smem:$0x3FA2] =	sst s5  }
0xe: {  	[smem:$0x3FA3] =	sst s6  }
0xf: {  	[smem:$0x3FA4] =	sst s7  }
0x10: {  	[smem:$0x3FA5] =	sst s8  }
0x11: {  	[smem:$0x3FA6] =	sst s9;
	s0 =	simm.s32 @!p0 $0x0  }
0x12: {  	s1 =	sld [smem:$0x3F8C];
	s0 =	simm.s32 @p0 $0x1  }
0x13: {  	[smem:$0x3FA7] =	sst s0;
	s0 =	simm.s32 @!p1 $0x0  }
0x14: {  	s2 =	sld [smem:$0x3F8B];
	s0 =	simm.s32 @p1 $0x1  }
0x15: {  	[smem:$0x3FA8] =	sst s0;
	s0 =	simm.s32 @!p2 $0x0  }
0x16: {  	s3 =	sld [smem:$0x3FDB];
	s0 =	simm.s32 @p2 $0x1  }
0x17: {  	s4 =	simm.s32 $0x1BF5;
	[smem:$0x3FAA] =	sst s0  }
0x18: {  	s0 =	sld [smem:$0x3F8D];
	_ =	swait.ge [sflag:s4], $0x0  }
0x19: {  	s7 =	sld [smem:$0x3F8E]  }
0x1a: {  	s8 =	sadd.s32 $0xFFFFE003, lr  }
0x1b: {  	s9 =	sadd.s32 $0xFFFFFEF7, lr;
	s5 =	simm.s32 $0xFFFFFFFF;
	p2 =	slt.u32 s8, $0xFFFFF086  }
0x1c: {  	p1 =	slt.u32 s9, $0xF7A;
	s5 =	simm.s32 @!p2 $0x0  }
0x1d: {  	s5 =	simm.s32 @p1 $0x1;
	p0 =	seq.s32 s7, s2  }
0x1e: {  	s7 =	smul.u32 @!p0 $0xF7A, s2;
	p2 =	seq.s32 @!p0 s5, $0x0  }
0x1f: {  	s9 =	smul.u32 $0xF7A, s1;
	s8 =	simm.s32 @!p0 $0x1BF5;
	p2 =	por !p2, p0  }
0x20: {  	[sflag:s8] =	ssyncset.s32 @!p0 $0xFFFFF086;
	s6 =	sadd.s32 @!p0 s3, s7;
	s7 =	simm.s32 @!p0 $0x108  }
0x21: {  	s3 =	sadd.s32 s3, s9;
	s6 =	sadd.s32 @!p0 $0x88, s6;
	s7 =	simm.s32 @p2 $0x1082  }
0x22: {  	[simem:s7], [sflag:s8] =	dma.local @!p0 [hbm:s6], $0xF7A  }
0x23: {  	s9 =	sor.u32 $0xD0000000, s2;
	s6 =	simm.s32 $0x108;
	_ =	swait.ge @!p0 [sflag:s8], $0x0  }
0x24: {  	s3 =	sadd.s32 $0x88, s3;
	s6 =	simm.s32 @!p1 $0x1082;
	[sflag:s4] =	ssyncset.s32 $0xFFFFF086  }
0x25: {  	[simem:s6], [sflag:s4] =	dma.local [hbm:s3], $0xF7A  }
0x26: {  	[smem:$0x3F8E] =	sst s1;
	(tag) =	ssettag s2;
	_ =	strace s9  }
0x27: {  	s1 =	sld [smem:$0x3F9E]  }
0x28: {  	s2 =	sld [smem:$0x3F9F]  }
0x29: {  	s4 =	sld [smem:$0x3FA1]  }
0x2a: {  	p0 =	seq.s32 s5, $0x0;
	s5 =	sld [smem:$0x3FA2]  }
0x2b: {  	s6 =	sld [smem:$0x3FA3]  }
0x2c: {  	s7 =	sld [smem:$0x3FA4]  }
0x2d: {  	s3 =	simm.s32 $0x108;
	s8 =	sld [smem:$0x3FA5]  }
0x2e: {  	s3 =	simm.s32 @!p0 $0x1082;
	s9 =	sld [smem:$0x3FA6]  }
0x2f: {  	lr =	sadd.s32 s0, s3;
	s0 =	sld [smem:$0x3F9D]  }
0x30: {  	s3 =	sld [smem:$0x3FA0]  }
0x31: {  	[smem:$0x3FA9] =	sst s10  }
0x32: {  	s10 =	sld [smem:$0x3FA7];
	_ =	sdelay $0x3  }
0x33: {  	p0 =	seq.s32 s10, $0x1;
	s10 =	sld [smem:$0x3FA9];
	_ =	sdelay $0x3  }
0x34: {  	[smem:$0x3FA9] =	sst s10  }
0x35: {  	s10 =	sld [smem:$0x3FA8];
	_ =	sdelay $0x3  }
0x36: {  	p1 =	seq.s32 s10, $0x1;
	s10 =	sld [smem:$0x3FA9];
	_ =	sdelay $0x3  }
0x37: {  	[smem:$0x3FA9] =	sst s10  }
0x38: {  	s10 =	sld [smem:$0x3FAA]  }
0x39: {  	_ = 	snop;
	(pc) =	sbr.ind lr, $3  }
0x3a: {  	_ = 	snop  }
0x3b: {  	_ = 	snop  }
0x3c: {  	p2 =	seq.s32 s10, $0x1;
	s10 =	sld [smem:$0x3FA9]  }
0x3d: {  	_ =	shalt  }
0x3e: {  	_ =	shalt  }
0x3f: {  	_ =	shalt  }
0x40: {  	_ =	shalt  }
0x41: {  	_ =	shalt  }
0x42: {  	_ =	shalt  }
0x43: {  	_ =	shalt  }
0x44: {  	_ =	shalt  }
0x45: {  	_ =	shalt  }
0x46: {  	_ =	shalt  }
0x47: {  	_ =	shalt  }
0x48: {  	_ =	shalt  }
0x49: {  	_ =	shalt  }
0x4a: {  	_ =	shalt  }
0x4b: {  	_ =	shalt  }
0x4c: {  	_ =	shalt  }
0x4d: {  	_ =	shalt  }
0x4e: {  	_ =	shalt  }
0x4f: {  	_ =	shalt  }
0x50: {  	_ =	shalt  }
0x51: {  	_ =	shalt  }
0x52: {  	_ =	shalt  }
0x53: {  	_ =	shalt  }
0x54: {  	_ =	shalt  }
0x55: {  	_ =	shalt  }
0x56: {  	_ =	shalt  }
0x57: {  	_ =	shalt  }
0x58: {  	_ =	shalt  }
0x59: {  	_ =	shalt  }
0x5a: {  	_ =	shalt  }
0x5b: {  	_ =	shalt  }
0x5c: {  	_ =	shalt  }
0x5d: {  	_ =	shalt  }
0x5e: {  	_ =	shalt  }
0x5f: {  	_ =	shalt  }
0x60: {  	_ =	shalt  }
0x61: {  	_ =	shalt  }
0x62: {  	_ =	shalt  }
0x63: {  	_ =	shalt  }
0x64: {  	_ =	shalt  }
0x65: {  	_ =	shalt  }
0x66: {  	_ =	shalt  }
0x67: {  	_ =	shalt  }
0x68: {  	_ =	shalt  }
0x69: {  	_ =	shalt  }
0x6a: {  	_ =	shalt  }
0x6b: {  	_ =	shalt  }
0x6c: {  	_ =	shalt  }
0x6d: {  	_ =	shalt  }
0x6e: {  	_ =	shalt  }
0x6f: {  	_ =	shalt  }
0x70: {  	_ =	shalt  }
0x71: {  	_ =	shalt  }
0x72: {  	_ =	shalt  }
0x73: {  	_ =	shalt  }
0x74: {  	_ =	shalt  }
0x75: {  	_ =	shalt  }
0x76: {  	_ =	shalt  }
0x77: {  	_ =	shalt  }
0x78: {  	_ =	shalt  }
0x79: {  	_ =	shalt  }
0x7a: {  	_ =	shalt  }
0x7b: {  	_ =	shalt  }
0x7c: {  	_ =	shalt  }
0x7d: {  	_ =	shalt  }
0x7e: {  	_ =	shalt  }
0x7f: {  	_ =	shalt  }
0x80: {  	_ =	shalt  }
0x81: {  	_ =	shalt  }
0x82: {  	_ =	shalt  }
0x83: {  	_ =	shalt  }
0x84: {  	_ =	shalt  }
0x85: {  	_ =	shalt  }
0x86: {  	_ =	shalt  }
0x87: {  	_ =	shalt  }
.Lfunc_end0:
.L_simem_size_0:
called_computation.2_lowered:
.L_overlay_start_0:
0x88: {  	s2 =	sld [smem:$0x3FD9]  }
0x89: {  	s3 =	sld [smem:$0x3FFE];
	_ =	sdelay $0x1  }
0x8a: {  	s1 =	srdreg.scid  }
0x8b: {  	s0 =	sand.u32 $0x1, s1  }
0x8c: {  	s17 =	sshll.u32 s0, $0xA;
	s2 =	sadd.s32 s3, s2  }
0x8d: {  	s2 =	sadd.s32 s2, s17  }
0x8e: {  	[smem:$0x3FB5] =	sst s2  }
0x8f: {  	_ = 	snop  }
0x90: {  	s2 =	sld [smem:$0x3FD0];
	(tm) =	ssettm $0x1  }
0x91: {  	s18 =	sld [smem:$0x3FFB];
	_ =	sdelay $0x3  }
0x92: {  	_ =	strace s18  }
0x93: {  	s3 =	sld [smem:$0x3FFC];
	_ =	sdelay $0x3  }
0x94: {  	_ =	strace s3  }
0x95: {  	s3 =	sld [smem:$0x3FFD];
	_ =	sdelay $0x3  }
0x96: {  	_ =	strace s3  }
0x97: {  	_ =	strace $0x8FFFFFFF  }
0x98: {  	s19 =	sld [smem:$0x3FDB];
	_ =	sdelay $0x1  }
0x99: {  	s4 =	simm.s32 $_scs_section_size  }
0x9a: {  	s5 =	simm.s32 $_size__tile_overlayer_lowered;
	s6 =	simm.s32 $_tile_overlayer_lowered  }
0x9b: {  	s22 =	simm.s32 $0x1BFF;
	s21 =	sshll.u32 s6, $0x1;
	s3 =	sadd.s32 s4, s19  }
0x9c: {  	s7 =	simm.s32 $0x0;
	s20 =	sshll.u32 s5, $0x1;
	s5 =	sadd.s32 s21, s3  }
0x9d: {  	[timem:s7], [sflag:s22] =	dma.local [hbm:s5], s20  }
0x9e: {  	_ =	swait.ge [sflag:s22], s20  }
0x9f: {  	s4 =	ssub.s32 $0x0, s20;
	[sflag:s22] =	ssyncset.done $0x0  }
0xa0: {  	[sflag:s22] =	ssyncadd.s32 s4;
	_ =	sdelay $0x1  }
0xa1: {  	s23 =	simm.s32 $0x1B8B  }
0xa2: {  	_ =	swait.ge [sflag:s23], $0x1  }
0xa3: {  	[sflag:s23] =	ssyncset.done $0x0  }
0xa4: {  	s25 =	simm.s32 $0x1B8E;
	s24 =	sld [smem:$0x3FFE];
	[sflag:s23] =	ssyncadd.s32 $0xFFFFFFFF  }
0xa5: {  	s26 =	simm.s32 $execute0_lowered;
	[smem:$0x3FD2] =	sst s25  }
0xa6: {  	s5 =	sshll.u32 s26, $0x1;
	_ =	strace $0x8000004C;
	[dreg:$0x1] =	wrdreg $0xFFFFFFFF  }
0xa7: {  	s28 =	simm.s32 $_size_execute0_lowered;
	s3 =	sadd.s32 s3, s5;
	[dreg:$0x0] =	wrdreg $0x0  }
0xa8: {  	s5 =	sshll.u32 s28, $0x1;
	[dreg:$0x2] =	wrdreg s3  }
0xa9: {  	[dreg:$0x3] =	wrdreg s5  }
0xaa: {  	[dreg:$0x4] =	wrdreg $0xC0  }
0xab: {  	_ =	task [dreg:s7], $0x5FFFF  }
0xac: {  	[dreg:$0x1] =	wrdreg $0xFFFFFFFF  }
0xad: {  	[dreg:$0x0] =	wrdreg $0x60  }
0xae: {  	[dreg:$0x2] =	wrdreg s24  }
0xaf: {  	[dreg:$0x3] =	wrdreg s2  }
0xb0: {  	[dreg:$0x4] =	wrdreg $0x41000  }
0xb1: {  	[dreg:$0x5] =	wrdreg $0x9  }
0xb2: {  	_ =	task.clear_ibuf [dreg:s7], $0x6FFFF;
	_ =	strace $0x9000004C  }
0xb3: {  	s29 =	simm.s32 $0x9;
	_ =	strace $0x8000004E  }
0xb4: {  	_ =	swait.ge [sflag:s29], $0x1  }
0xb5: {  	[sflag:s29] =	ssyncadd.s32 $0xFFFFFFFF  }
0xb6: {  	_ =	strace $0x9000004E  }
0xb7: {  	_ =	sfence  }
0xb8: {  	s30 =	sld [smem:$0x0];
	_ =	sdelay $0x2  }
0xb9: {  	s31 =	sshll.u32 s1, $0xD;
	s1 =	sshrl.u32 s1, $0x2  }
0xba: {  	s3 =	sand.u32 $0x4000, s31;
	s1 =	sadd.s32 s1, s30  }
0xbb: {  	s0 =	sor.u32 s3, s0;
	s1 =	sshll.u32 s1, $0x11  }
0xbc: {  	s0 =	sor.u32 s1, s0  }
0xbd: {  	s0 =	sadd.s32 $0x8F2B, s0  }
0xbe: {  	[sflag:s0] =	ssyncadd.remote.s32 $0x1  }
0xbf: {  	_ =	sfence.sel $0xFFFF  }
0xc0: {  	[dreg:$0x0] =	wrdreg $0xFFFFFFFF;
	(pc) =	sbr.abs _section_cstart, $3  }
0xc1: {  	[dreg:$0x1] =	wrdreg $0xFFFFFFFF  }
0xc2: {  	_ =	task.clear_ibuf [dreg:s7], $0x2FFFF;
	_ =	strace $0x9FFFFFFF  }
0xc3: {  	(tm) =	ssettm $0x7FFFFFFF  }
tec
execute0_lowered:
.L_overlay_start_1:
0x0: {  	(tag) =	ssettag $0x1  }
0x1: {  	s5 =	rddreg [dreg:$0x0]  }
0x2: {  	s8 =	rddreg [dreg:$0x1]  }
0x3: {  	s0 =	srdreg.scid;
	s1 =	stileid.u32  }
0x4: {  	s2 =	rddreg [dreg:$0x2];
	s7 =	smul.u32 $0x14000, s1  }
0x5: {  	s3 =	simm.s32 $0x0;
	s15 =	simm.s32 $0x1;
	s13 =	smul.u32 $0x50000, s1  }
0x6: {  	s6 =	sand.u32 $0x1, s0;
	s0 =	rddreg [dreg:$0x3];
	s31 =	smul.u32 $0x4F0, s1  }
0x7: {  	s16 =	simm.s32 $0x0;
	[smem:$0x7FF] =	sst s3;
	s9 =	smul.u32 $0x4F00, s6  }
0x8: {  	s4 =	sadd.s32 $0x19000, s5;
	s30 =	sshll.u32 s1, $0x6;
	s10 =	smul.u32 $0x140000, s6  }
0x9: {  	_ =	strace $0x8000004D;
	s6 =	ssub.s32 $0x2, s6;
	s12 =	sshrl.u32 s7, $0x3  }
0xa: {  	s28 =	sshrl.u32 s6, $0x1;
	s29 =	sshrl.u32 s13, $0x2;
	s13 =	simm.s32 $0x80  }
0xb: {  	s11 =	sadd.s32 s9, s5;
	s7 =	sadd.s32 s7, s10;
	s12 =	sadd.s32 s12, s5  }
0xc: {  	s10 =	ssub.s32 s6, s28;
	s14 =	sadd.s32 s29, s2;
	s6 =	sor.u32 $0x1C02, s30  }
0xd: {  	s9 =	sadd.s32 s9, s8;
	s7 =	sshrl.u32 s7, $0x3;
	s11 =	sadd.s32 s31, s11  }
0xe: {  	s8 =	smax.u32 s10, $0x1;
	s9 =	sadd.s32 s31, s9;
	s7 =	sadd.s32 s7, s5  }
0xf: {  	s5 =	sadd.s32 $0x8E600, s12;
	s10 =	sadd.s32 $0xF200, s11;
	s11 =	sshrl.u32 s14, $0x3  }
0x10: {  	s12 =	simm.s32 $0x2;
	s14 =	simm.s32 $0x100;
	s7 =	sadd.s32 $0xDD800, s7  }
.LBB2_1:
0x11: {  	[spmem:s11], [sflag:s6] =	dma.local [hbm:s5], $0x2800  }
0x12: {  	_ =	swait.ge [sflag:s12], $0x2800  }
0x13: {  	[sflag:s12] =	ssyncset.done $0x0  }
0x14: {  	[sflag:s12] =	ssyncadd.s32 $0xFFFFD800  }
0x15: {  	s17 =	sadd.s32 $0x0, s10;
	[bflag:$0x0] =	sbarrier.arrive $0xFFFF  }
0x16: {  	[tilespmem:s3], [sflag:$0x2] =	stream.linear.gather [hbm4b:s17+s3], $0x80, $0x38;
	[tilespmem:$0x18100] =	vst v63  }
0x17: {  	_ =	swait.ge [sflag:s12], $0x80  }
0x18: {  	[sflag:s12] =	ssyncset.done $0x0  }
0x19: {  	s31 =	sadd.s32 $0x0, s9;
	[sflag:s12] =	ssyncadd.s32 $0xFFFFFF80  }
0x1a: {  	[tilespmem:s13], [sflag:$0x2] =	stream.linear.gather [hbm4b:s31+s3], $0x80, $0x38;
	[tilespmem:$0x18100] =	vst v63  }
0x1b: {  	_ =	swait.ge [sflag:s12], $0x80  }
0x1c: {  	[sflag:s12] =	ssyncset.done $0x0  }
0x1d: {  	[sflag:s12] =	ssyncadd.s32 $0xFFFFFF80  }
0x1e: {  	[tilespmem:s14], [sflag:$0x1] =	stream.indirect.gather [hbm4b:s4+s13], $0x80, s3, s13, $0xb8;
	[tilespmem:$0x18100] =	vst v63  }
0x1f: {  	_ =	swait.ge [sflag:s15], $0x4000  }
0x20: {  	[sflag:s15] =	ssyncset.done $0x0  }
0x21: {  	[sflag:s15] =	ssyncadd.s32 $0xFFFFC000  }
0x22: {  	[spmem:s2] =	stream.indirect.scatter.add.f32 [tilespmem:s14], [sflag:$0x2], $0x80, s13, s13, $0xb8;
	[tilespmem:$0x18100] =	vst v63  }
0x23: {  	_ =	swait.ge [sflag:s12], $0x4000  }
0x24: {  	s18 =	simm.s32 $0x20;
	s17 =	simm.s32 $0x10;
	[sflag:s12] =	ssyncset.done $0x0  }
.LBB2_2:
0x25: {  	s19 =	sadd.s32 s17, s10  }
0x26: {  	[sflag:s12] =	ssyncadd.s32 $0xFFFFC000;
	s20 =	smov.u32 s18;
	s21 =	sadd.s32 $0x10, s18  }
0x27: {  	[tilespmem:s3], [sflag:$0x2] =	stream.linear.gather [hbm4b:s19+s3], $0x80, $0x38;
	[tilespmem:$0x18100] =	vst v63  }
0x28: {  	p0 =	sne.s32 s18, $0x4E0;
	_ =	swait.ge [sflag:s12], $0x80  }
0x29: {  	[sflag:s12] =	ssyncset.done $0x0  }
0x2a: {  	s18 =	sadd.s32 s17, s9;
	s17 =	smov.u32 s20;
	[sflag:s12] =	ssyncadd.s32 $0xFFFFFF80  }
0x2b: {  	[tilespmem:s13], [sflag:$0x2] =	stream.linear.gather [hbm4b:s18+s3], $0x80, $0x38;
	[tilespmem:$0x18100] =	vst v63  }
0x2c: {  	_ =	swait.ge [sflag:s12], $0x80  }
0x2d: {  	[sflag:s12] =	ssyncset.done $0x0  }
0x2e: {  	[sflag:s12] =	ssyncadd.s32 $0xFFFFFF80  }
0x2f: {  	[tilespmem:s14], [sflag:$0x1] =	stream.indirect.gather [hbm4b:s4+s13], $0x80, s3, s13, $0xb8;
	[tilespmem:$0x18100] =	vst v63  }
0x30: {  	_ =	swait.ge [sflag:s15], $0x4000  }
.Ltmp0:
0x31: {  	[sflag:s15] =	ssyncset.done $0x0;
	(pc) =	sbr.rel @p0 .LBB2_2-.Ltmp0, $4  }
0x32: {  	[sflag:s15] =	ssyncadd.s32 $0xFFFFC000  }
0x33: {  	[spmem:s2] =	stream.indirect.scatter.add.f32 [tilespmem:s14], [sflag:$0x2], $0x80, s13, s13, $0xb8;
	[tilespmem:$0x18100] =	vst v63  }
0x34: {  	_ =	swait.ge [sflag:s12], $0x4000  }
0x35: {  	s18 =	smov.u32 s21;
	[sflag:s12] =	ssyncset.done $0x0  }
0x36: {  	s18 =	sadd.s32 s17, s10;
	[sflag:s12] =	ssyncadd.s32 $0xFFFFC000  }
0x37: {  	[tilespmem:s3], [sflag:$0x2] =	stream.linear.gather [hbm4b:s18+s3], $0x80, $0x38;
	[tilespmem:$0x18100] =	vst v63  }
0x38: {  	_ =	swait.ge [sflag:s12], $0x80  }
0x39: {  	[sflag:s12] =	ssyncset.done $0x0  }
0x3a: {  	s31 =	sadd.s32 s17, s9;
	[sflag:s12] =	ssyncadd.s32 $0xFFFFFF80  }
0x3b: {  	[tilespmem:s13], [sflag:$0x2] =	stream.linear.gather [hbm4b:s31+s3], $0x80, $0x38;
	[tilespmem:$0x18100] =	vst v63  }
0x3c: {  	_ =	swait.ge [sflag:s12], $0x80  }
0x3d: {  	[sflag:s12] =	ssyncset.done $0x0  }
0x3e: {  	[sflag:s12] =	ssyncadd.s32 $0xFFFFFF80  }
0x3f: {  	[tilespmem:s14], [sflag:$0x1] =	stream.indirect.gather [hbm4b:s4+s13], $0x80, s3, s13, $0xb8;
	[tilespmem:$0x18100] =	vst v63  }
0x40: {  	_ =	swait.ge [sflag:s15], $0x4000  }
0x41: {  	[sflag:s15] =	ssyncset.done $0x0  }
0x42: {  	[sflag:s15] =	ssyncadd.s32 $0xFFFFC000  }
0x43: {  	[spmem:s2] =	stream.indirect.scatter.add.f32 [tilespmem:s14], [sflag:$0x2], $0x80, s13, s13, $0xb8;
	[tilespmem:$0x18100] =	vst v63  }
0x44: {  	_ =	swait.ge [sflag:s12], $0x4000  }
0x45: {  	s16 =	sadd.s32 $0x1, s16;
	[sflag:s12] =	ssyncset.done $0x0  }
0x46: {  	p0 =	sne.s32 s16, s8;
	[sflag:s12] =	ssyncadd.s32 $0xFFFFC000  }
.Ltmp1:
0x47: {  	[bflag:$0x0] =	sbarrier.arrive $0xFFFF;
	(pc) =	sbr.rel @p0 .LBB2_1-.Ltmp1, $4  }
0x48: {  	[hbm:s7], [sflag:s6] =	dma.local [spmem:s11], $0x2800  }
0x49: {  	_ =	swait.ge [sflag:s12], $0x2800  }
0x4a: {  	[sflag:s12] =	ssyncset.done $0x0  }
0x4b: {  	[sflag:s12] =	ssyncadd.s32 $0xFFFFD800  }
0x4c: {  	_ =	sfence.sel $0x180000  }
0x4d: {  	[bflag:$0x0] =	sbarrier.arrive $0xFFFF  }
0x4e: {  	p0 =	sne.s32 s1, $0x0;
	_ =	strace $0x9000004D  }
0x4f: {  	s0 =	sadd.s32 @!p0 $0x100000, s0;
	[bflag:$0x2] =	sbarrier.arrive $0xFFFF  }
0x50: {  	[sflag:s0] =	ssyncadd.tile.s32 @!p0 $0x1;
	_ =	shalt  }
.Lfunc_end2:
_tile_overlayer_lowered:
.L_overlay_start_2:
0x51: {  	(tag) =	ssettag $0x2  }
0x52: {  	s0 =	rddreg [dreg:$0x0];
	s2 =	stileid.u32  }
0x53: {  	s1 =	rddreg [dreg:$0x1];
	p0 =	sne.s32 s2, $0x0  }
0x54: {  	s3 =	rddreg [dreg:$0x2];
	[bflag:$0x3] =	sbarrier.arrive $0xFFFF;
	s2 =	simm.s32 @!p0 $0x1C02  }
0x55: {  	[timem:s3], [sflag:s2] =	dma.local @!p0 [hbm:s0], s1  }
0x56: {  	s0 =	simm.s32 @!p0 $0x2  }
0x57: {  	_ =	swait.ge @!p0 [sflag:s0], s1  }
0x58: {  	s1 =	ssub.s32 @!p0 $0x0, s1;
	[sflag:s0] =	ssyncset.done @!p0 $0x0  }
0x59: {  	[sflag:s0] =	ssyncadd.s32 @!p0 s1  }
0x5a: {  	[bflag:$0x3] =	sbarrier.arrive $0xFFFF  }
0x5b: {  	_ =	shalt  }

</sc_bundles>
